<compile_context>
chip_gen: v7x
topology: tpu7x:2x2x1
jax: 0.10.2.dev20260603
libtpu: 0.0.44.dev20260713+nightly
codegen_flags: <defaults>
</compile_context>

<pallas_src>
import functools

import jax
import jax.numpy as jnp
from jax import lax
from jax.experimental import pallas as pl
from jax.experimental.pallas import tpu as pltpu
from jax.experimental.pallas import tpu_sc as plsc

_NC = 2
_NS = 16
_NW = _NC * _NS
_B = 128
_BLK = 1024


def _cdiv(a, b):
  return (a + b - 1) // b


def _make_seg_rows(n_pad, d, m0, m1):
  rows_per_tile = n_pad // _NS
  chunks = rows_per_tile // _B
  m_max = max(m0, m1)
  mesh = plsc.VectorSubcoreMesh(
      core_axis_name="c", subcore_axis_name="s",
      num_cores=_NC, num_subcores=_NS)

  @functools.partial(
      pl.kernel,
      out_type=jax.ShapeDtypeStruct((_NC * n_pad, d), jnp.float32),
      mesh=mesh,
      scratch_types=[
          pltpu.VMEM((m_max // 2, _B), jnp.int32),
          pltpu.VMEM((m_max // 2, _B), jnp.int32),
          [pltpu.VMEM((_B, d), jnp.float32) for _ in range(2)],
          pltpu.VMEM_SHARED((n_pad, d), jnp.float32),
          [pltpu.SemaphoreType.DMA for _ in range(2)],
      ],
      compiler_params=pltpu.CompilerParams(needs_layout_passes=False),
  )
  def seg_rows(x_hbm, src_hbm, dst_hbm, out_hbm, src_v, dst_v, rows_v,
               agg_sh, sem):
    cid = lax.axis_index("c")
    sid = lax.axis_index("s")

    def zrow(i, carry):
      r = i // 8
      off = (i % 8) * 16
      rows_v[0][r, pl.ds(off, 16)] = jnp.zeros((16,), jnp.float32)
      return carry
    lax.fori_loop(0, _B * 8, zrow, 0)
    for r in range(chunks):
      pltpu.sync_copy(
          rows_v[0], agg_sh.at[pl.ds(sid * rows_per_tile + r * _B, _B)])
    plsc.subcore_barrier()

    assert m0 == m1 and m0 % 4 == 0
    wid = cid * _NS + sid
    mh = m0 // 2

    for ph in range(2):
      pltpu.sync_copy(src_hbm.at[wid * 2 + ph], src_v)
      pltpu.sync_copy(dst_hbm.at[wid * 2 + ph], dst_v)

      def body(i, carry):
        j = 2 * i
        for b in range(2):
          pltpu.async_copy(x_hbm.at[src_v.at[j + b]], rows_v[b], sem[b])
        for b in range(2):
          pltpu.make_async_copy(x_hbm.at[src_v.at[j + b]], rows_v[b],
                                sem[b]).wait()
          pltpu.sync_copy(rows_v[b], agg_sh.at[dst_v.at[j + b]], add=True)
        return carry
      lax.fori_loop(0, mh // 2, body, 0)

    plsc.subcore_barrier()
    for r in range(chunks):
      off = sid * rows_per_tile + r * _B
      pltpu.sync_copy(agg_sh.at[pl.ds(off, _B)],
                      out_hbm.at[pl.ds(cid * n_pad + off, _B)])

  return seg_rows


def _make_seg_scalar(n_pad, nb):
  mesh = plsc.VectorSubcoreMesh(
      core_axis_name="c", subcore_axis_name="s",
      num_cores=_NC, num_subcores=_NS)

  @functools.partial(
      pl.kernel,
      out_type=jax.ShapeDtypeStruct((_NW, n_pad), jnp.float32),
      mesh=mesh,
      scratch_types=[
          pltpu.VMEM((n_pad,), jnp.float32),
          pltpu.VMEM((nb, _B), jnp.int32),
          pltpu.VMEM((nb, _B), jnp.int32),
          pltpu.VMEM((n_pad,), jnp.float32),
      ],
      compiler_params=pltpu.CompilerParams(needs_layout_passes=False),
  )
  def seg_scalar(att_hbm, src_hbm, dst_hbm, out_hbm, att_v, src_v, dst_v,
                 c_v):
    cid = lax.axis_index("c")
    sid = lax.axis_index("s")
    wid = cid * _NS + sid

    pltpu.sync_copy(att_hbm, att_v)
    pltpu.sync_copy(src_hbm.at[wid], src_v)
    pltpu.sync_copy(dst_hbm.at[wid], dst_v)

    def zbody(i, carry):
      c_v[pl.ds(i * 16, 16)] = jnp.zeros((16,), jnp.float32)
      return carry
    lax.fori_loop(0, n_pad // 16, zbody, 0)

    per_row = _B // 16

    def ebody(i, carry):
      j = i // per_row
      k = (i % per_row) * 16
      dvals = dst_v[j, pl.ds(k, 16)]
      svals = src_v[j, pl.ds(k, 16)]
      gathered = plsc.load_gather(att_v, [dvals])
      plsc.addupdate_scatter(c_v, [svals], gathered)
      return carry
    lax.fori_loop(0, nb * per_row, ebody, 0)

    pltpu.sync_copy(c_v, out_hbm.at[wid])

  return seg_scalar


def _mid_body(p_ref, w1_ref, watt_ref, batt_ref, emb_ref, att_ref):
  blk = p_ref[0] + p_ref[1]
  t = jnp.dot(blk, w1_ref[...], preferred_element_type=jnp.float32,
              precision=lax.Precision.HIGHEST)
  embv = jnp.maximum(t, 0.0)
  emb_ref[...] = embv
  logit = jnp.dot(embv, watt_ref[...], preferred_element_type=jnp.float32,
                  precision=lax.Precision.HIGHEST) + batt_ref[0, 0]
  att_ref[...] = jax.nn.sigmoid(logit)


def _make_mid(n_pad, d, h):
  grid = (n_pad // _BLK,)
  return pl.pallas_call(
      _mid_body,
      grid=grid,
      in_specs=[
          pl.BlockSpec((2, _BLK, d), lambda i: (0, i, 0)),
          pl.BlockSpec((d, h), lambda i: (0, 0)),
          pl.BlockSpec((h, 1), lambda i: (0, 0)),
          pl.BlockSpec((1, 1), lambda i: (0, 0)),
      ],
      out_specs=[
          pl.BlockSpec((_BLK, h), lambda i: (i, 0)),
          pl.BlockSpec((_BLK, 1), lambda i: (i, 0)),
      ],
      out_shape=[
          jax.ShapeDtypeStruct((n_pad, h), jnp.float32),
          jax.ShapeDtypeStruct((n_pad, 1), jnp.float32),
      ],
  )


def _make_fin(n, n_pad, h, c):
  def fin_body(emb_ref, att_ref, cpart_ref, w2_ref, wclf_ref, bclf_ref,
               out_ref, acc_ref):
    i = pl.program_id(0)

    @pl.when(i == 0)
    def _init():
      acc_ref[...] = jnp.zeros_like(acc_ref)

    cb = jnp.sum(cpart_ref[...], axis=0)
    w = att_ref[:, 0] * cb
    row = i * _BLK + lax.broadcasted_iota(jnp.int32, (_BLK,), 0)
    w = jnp.where(row < n, w, 0.0)
    v = jnp.dot(w[None, :], emb_ref[...], preferred_element_type=jnp.float32,
                precision=lax.Precision.HIGHEST)
    acc_ref[0:1, :] += v

    @pl.when(i == pl.num_programs(0) - 1)
    def _final():
      hg = acc_ref[0:1, :] / float(n)
      hg2 = jnp.dot(hg, w2_ref[...], preferred_element_type=jnp.float32,
                    precision=lax.Precision.HIGHEST)
      out_ref[...] = jnp.dot(
          hg2, wclf_ref[...], preferred_element_type=jnp.float32,
          precision=lax.Precision.HIGHEST) + bclf_ref[...]

  grid = (n_pad // _BLK,)
  return pl.pallas_call(
      fin_body,
      grid=grid,
      in_specs=[
          pl.BlockSpec((_BLK, h), lambda i: (i, 0)),
          pl.BlockSpec((_BLK, 1), lambda i: (i, 0)),
          pl.BlockSpec((_NW, _BLK), lambda i: (0, i)),
          pl.BlockSpec((h, h), lambda i: (0, 0)),
          pl.BlockSpec((h, c), lambda i: (0, 0)),
          pl.BlockSpec((1, c), lambda i: (0, 0)),
      ],
      out_specs=pl.BlockSpec((1, c), lambda i: (0, 0)),
      out_shape=jax.ShapeDtypeStruct((1, c), jnp.float32),
      scratch_shapes=[pltpu.VMEM((8, h), jnp.float32)],
  )


def kernel(x, edge_index, W1, W2, w_att, b_att, W_clf, b_clf):
  n, d = x.shape
  h = W1.shape[1]
  c = W_clf.shape[1]
  e = edge_index.shape[1]

  n_pad = _cdiv(n + 1, _NS * _B) * _NS * _B
  e_pad = _cdiv(e, _NW * _B * 4) * _NW * _B * 4
  nb = e_pad // (_NW * _B)

  src = edge_index[0]
  dst = edge_index[1]
  arange_pad = jnp.arange(e_pad - e, dtype=jnp.int32)
  pad_trash = n + (arange_pad % (n_pad - n))
  src_f = jnp.concatenate([src, arange_pad % _B])
  dst_f = jnp.concatenate([dst, pad_trash])
  src_row = src_f.reshape(_NW * 2, nb // 2, _B)
  dst_row = dst_f.reshape(_NW * 2, nb // 2, _B)
  dst_r = dst_f.reshape(_NW, nb, _B)
  src_sc = jnp.concatenate([src, pad_trash]).reshape(_NW, nb, _B)

  p = _make_seg_rows(n_pad, d, nb, nb)(x, src_row, dst_row)
  p3 = p.reshape(_NC, n_pad, d)

  emb, att = _make_mid(n_pad, d, h)(
      p3, W1, w_att, b_att.reshape(1, 1))

  c_part = _make_seg_scalar(n_pad, nb)(att.reshape(n_pad), src_sc, dst_r)

  out = _make_fin(n, n_pad, h, c)(
      emb, att, c_part, W2, W_clf, b_clf.reshape(1, c))
  return out.reshape(c)

# --- scband reference (transcript-rebuilt; emitter-appended) ---
"""Pipeline reference for scband-dgib-52140902974152 (READ-ONLY COPY).

The authoritative reference and input builder live on the scoring server;
editing this copy changes nothing except your own understanding.
"""

import jax, jax.numpy as jnp
import numpy as np

N = 10000
E = 320000
D = 128
H = 128
C = 10


def setup_inputs(seed: int = 0) -> dict:
    key = jax.random.key(seed)
    ks = jax.random.split(key, 8)
    x = jax.random.normal(ks[0], (N, D), dtype=jnp.float32)
    edge_index = jax.random.randint(ks[1], (2, E), 0, N, dtype=jnp.int32)
    W1 = jax.random.normal(ks[2], (D, H), dtype=jnp.float32) * 0.05
    W2 = jax.random.normal(ks[3], (H, H), dtype=jnp.float32) * 0.05
    w_att = jax.random.normal(ks[4], (H, 1), dtype=jnp.float32) * 0.05
    b_att = jnp.zeros((1,), dtype=jnp.float32)
    W_clf = jax.random.normal(ks[5], (H, C), dtype=jnp.float32) * 0.05
    b_clf = jnp.zeros((C,), dtype=jnp.float32)
    return {
        'x': x,
        'edge_index': edge_index,
        'W1': W1,
        'W2': W2,
        'w_att': w_att,
        'b_att': b_att,
        'W_clf': W_clf,
        'b_clf': b_clf,
    }


def reference(x, edge_index, W1, W2, w_att, b_att, W_clf, b_clf):
    src = edge_index[0]
    dst = edge_index[1]
    # GNN attention-embedding pass: gather messages from src, scatter-add to dst
    h = x @ W1
    agg = jax.ops.segment_sum(h[src], dst, num_segments=N)
    emb = jax.nn.relu(agg)
    # extractor: per-node attention logits, then sigmoid (sampling, eval mode)
    att = jax.nn.sigmoid(emb @ w_att + b_att)  # [N, 1]
    # lift_node_att_to_edge_att: edge_att = att[src] * att[dst]
    edge_att = att[src] * att[dst]  # [E, 1]
    # second message-passing pass with edge attention (edge_atten-weighted)
    h2 = emb @ W2
    emb_disc = jax.ops.segment_sum(h2[src] * edge_att, dst, num_segments=N)
    # graph embedding via mean pool over nodes, then classifier head
    h_g = jnp.mean(emb_disc, axis=0)
    clf_logits = h_g @ W_clf + b_clf
    return clf_logits

if __name__ == "__main__":
    import jax
    _d = setup_inputs()
    print(jax.jit(kernel)(*tuple(_d.values())))

</pallas_src>

<mosaic_0001>
#map = affine_map<(d0, d1) -> (0, 0)>
#map1 = affine_map<(d0, d1) -> (0, 0, 0)>
module attributes {stable_mosaic.version = 14 : i64} {
  func.func @seg_rows(%arg0: i32, %arg1: i32, %arg2: memref<10000x128xf32, #tpu.memory_space<hbm>>, %arg3: memref<64x40x128xi32, #tpu.memory_space<hbm>>, %arg4: memref<64x40x128xi32, #tpu.memory_space<hbm>>, %arg5: memref<20480x128xf32, #tpu.memory_space<hbm>>, %arg6: memref<40x128xi32, #tpu.memory_space<vmem>>, %arg7: memref<40x128xi32, #tpu.memory_space<vmem>>, %arg8: memref<128x128xf32, #tpu.memory_space<vmem>>, %arg9: memref<128x128xf32, #tpu.memory_space<vmem>>, %arg10: memref<10240x128xf32, #tpu.memory_space<vmem_shared>>, %arg11: memref<!tpu.dma_semaphore, #tpu.memory_space<semaphore_mem>>, %arg12: memref<!tpu.dma_semaphore, #tpu.memory_space<semaphore_mem>>) attributes {dimension_semantics = [#tpu.dimension_semantics<core_parallel>, #tpu.dimension_semantics<subcore_parallel>], iteration_bounds = array<i64: 2, 16>, scalar_prefetch = 0 : i64, scratch_operands = 7 : i64, tpu.core_type = #tpu.core_type<sc_vector_subcore>, window_params = [{transform_indices = #map}, {transform_indices = #map1}, {transform_indices = #map1}, {transform_indices = #map}]} {
    %scan3A = arith.constant 0 : i32
    %scan3A_0 = arith.constant 0 : i32
    %scan3A_1 = arith.constant 1024 : i32
    %scan3A_2 = arith.addi %scan3A_0, %scan3A_1 : i32
    %scan3A_3 = arith.constant 1 : i32
    scf.for %scan3A_90 = %scan3A_0 to %scan3A_2 step %scan3A_3  : i32 {
      %jit3A = arith.constant 8 : i32
      %div3A = arith.divsi %scan3A_90, %jit3A : i32
      %sign3A = arith.constant 0 : i32
      %sign3A_91 = arith.cmpi sgt, %scan3A_90, %sign3A : i32
      %sign3A_92 = arith.extui %sign3A_91 : i1 to i32
      %sign3A_93 = arith.constant 0 : i32
      %sign3A_94 = arith.cmpi slt, %scan3A_90, %sign3A_93 : i32
      %sign3A_95 = arith.extui %sign3A_94 : i1 to i32
      %sign3A_96 = arith.subi %sign3A_92, %sign3A_95 : i32
      %sign3A_97 = arith.constant 0 : i32
      %sign3A_98 = arith.cmpi sgt, %jit3A, %sign3A_97 : i32
      %sign3A_99 = arith.extui %sign3A_98 : i1 to i32
      %sign3A_100 = arith.constant 0 : i32
      %sign3A_101 = arith.cmpi slt, %jit3A, %sign3A_100 : i32
      %sign3A_102 = arith.extui %sign3A_101 : i1 to i32
      %sign3A_103 = arith.subi %sign3A_99, %sign3A_102 : i32
      %ne3A = arith.cmpi ne, %sign3A_96, %sign3A_103 : i32
      %rem3A = arith.remsi %scan3A_90, %jit3A : i32
      %ne3A_104 = arith.constant 0 : i32
      %ne3A_105 = arith.cmpi ne, %rem3A, %ne3A_104 : i32
      %and3A = arith.andi %ne3A, %ne3A_105 : i1
      %sub3A = arith.constant 1 : i32
      %sub3A_106 = arith.subi %div3A, %sub3A : i32
      %select_n3A = arith.select %and3A, %sub3A_106, %div3A : i32
      %jit3A_107 = arith.constant 8 : i32
      %eq3A = arith.constant 0 : i32
      %eq3A_108 = arith.cmpi eq, %jit3A_107, %eq3A : i32
      %jit3A_109 = arith.constant 1 : i32
      %select_n3A_110 = arith.select %eq3A_108, %jit3A_109, %jit3A_107 : i32
      %rem3A_111 = arith.remsi %scan3A_90, %select_n3A_110 : i32
      %ne3A_112 = arith.constant 0 : i32
      %ne3A_113 = arith.cmpi ne, %rem3A_111, %ne3A_112 : i32
      %lt3A = arith.constant 0 : i32
      %lt3A_114 = arith.cmpi slt, %rem3A_111, %lt3A : i32
      %lt3A_115 = arith.constant 0 : i32
      %lt3A_116 = arith.cmpi slt, %select_n3A_110, %lt3A_115 : i32
      %ne3A_117 = arith.xori %lt3A_114, %lt3A_116 : i1
      %and3A_118 = arith.andi %ne3A_117, %ne3A_113 : i1
      %add3A_119 = arith.addi %rem3A_111, %select_n3A_110 : i32
      %select_n3A_120 = arith.select %and3A_118, %add3A_119, %rem3A_111 : i32
      %mul3A_121 = arith.constant 16 : i32
      %mul3A_122 = arith.muli %select_n3A_120, %mul3A_121 : i32
      %broadcast_in_dim3A = arith.constant 0.000000e+00 : f32
      %broadcast_in_dim3A_123 = vector.broadcast %broadcast_in_dim3A : f32 to vector<16xf32>
      %swap3A = arith.index_cast %select_n3A : i32 to index
      %swap3A_124 = arith.index_cast %mul3A_122 : i32 to index
      %swap3A_125 = tpu.vector_load %arg8[%swap3A, %swap3A_124] {strides = array<i32>} : memref<128x128xf32, #tpu.memory_space<vmem>>, vector<16xf32>,
      tpu.vector_store %arg8[%swap3A, %swap3A_124], %broadcast_in_dim3A_123 {strides = array<i32>} : memref<128x128xf32, #tpu.memory_space<vmem>>, vector<16xf32>,
    }
    %scan3A_4 = arith.constant 1024 : i32
    %mul3A = arith.constant 640 : i32
    %mul3A_5 = arith.muli %arg1, %mul3A : i32
    %add3A = arith.constant 0 : i32
    %add3A_6 = arith.addi %mul3A_5, %add3A : i32
    "tpu.region"() ({
      %run_scoped3A = tpu.sem_alloc : memref<!tpu.dma_semaphore, #tpu.memory_space<semaphore_mem>>
      %dma_start3A = arith.constant 0 : i32
      %dma_start3A_90 = tpu.memref_slice %arg10[%add3A_6, %dma_start3A] : memref<10240x128xf32, #tpu.memory_space<vmem_shared>> -> memref<128x128xf32, #tpu.memory_space<vmem_shared>>
      %dma_start3A_91 = arith.constant 0 : i32
      %dma_start3A_92 = tpu.memref_slice %arg10[%add3A_6, %dma_start3A_91] : memref<10240x128xf32, #tpu.memory_space<vmem_shared>> -> memref<128x128xf32, #tpu.memory_space<vmem_shared>>
      tpu.enqueue_dma source(%arg8 : memref<128x128xf32, #tpu.memory_space<vmem>>) target(%dma_start3A_92 : memref<128x128xf32, #tpu.memory_space<vmem_shared>>) target_semaphore(%run_scoped3A : memref<!tpu.dma_semaphore, #tpu.memory_space<semaphore_mem>>)
      %dma_wait3A = arith.constant 0 : i32
      %dma_wait3A_93 = tpu.memref_slice %arg10[%add3A_6, %dma_wait3A] : memref<10240x128xf32, #tpu.memory_space<vmem_shared>> -> memref<128x128xf32, #tpu.memory_space<vmem_shared>>
      %dma_wait3A_94 = arith.constant 0 : i32
      %dma_wait3A_95 = tpu.memref_slice %arg10[%add3A_6, %dma_wait3A_94] : memref<10240x128xf32, #tpu.memory_space<vmem_shared>> -> memref<128x128xf32, #tpu.memory_space<vmem_shared>>
      tpu.wait_dma2 semaphore(%run_scoped3A : memref<!tpu.dma_semaphore, #tpu.memory_space<semaphore_mem>>) src(%arg8 : memref<128x128xf32, #tpu.memory_space<vmem>>) dst(%dma_wait3A_95 : memref<128x128xf32, #tpu.memory_space<vmem_shared>>)
      tpu.yield
    }) : () -> ()
    %mul3A_7 = arith.constant 640 : i32
    %mul3A_8 = arith.muli %arg1, %mul3A_7 : i32
    %add3A_9 = arith.constant 128 : i32
    %add3A_10 = arith.addi %mul3A_8, %add3A_9 : i32
    "tpu.region"() ({
      %run_scoped3A = tpu.sem_alloc : memref<!tpu.dma_semaphore, #tpu.memory_space<semaphore_mem>>
      %dma_start3A = arith.constant 0 : i32
      %dma_start3A_90 = tpu.memref_slice %arg10[%add3A_10, %dma_start3A] : memref<10240x128xf32, #tpu.memory_space<vmem_shared>> -> memref<128x128xf32, #tpu.memory_space<vmem_shared>>
      %dma_start3A_91 = arith.constant 0 : i32
      %dma_start3A_92 = tpu.memref_slice %arg10[%add3A_10, %dma_start3A_91] : memref<10240x128xf32, #tpu.memory_space<vmem_shared>> -> memref<128x128xf32, #tpu.memory_space<vmem_shared>>
      tpu.enqueue_dma source(%arg8 : memref<128x128xf32, #tpu.memory_space<vmem>>) target(%dma_start3A_92 : memref<128x128xf32, #tpu.memory_space<vmem_shared>>) target_semaphore(%run_scoped3A : memref<!tpu.dma_semaphore, #tpu.memory_space<semaphore_mem>>)
      %dma_wait3A = arith.constant 0 : i32
      %dma_wait3A_93 = tpu.memref_slice %arg10[%add3A_10, %dma_wait3A] : memref<10240x128xf32, #tpu.memory_space<vmem_shared>> -> memref<128x128xf32, #tpu.memory_space<vmem_shared>>
      %dma_wait3A_94 = arith.constant 0 : i32
      %dma_wait3A_95 = tpu.memref_slice %arg10[%add3A_10, %dma_wait3A_94] : memref<10240x128xf32, #tpu.memory_space<vmem_shared>> -> memref<128x128xf32, #tpu.memory_space<vmem_shared>>
      tpu.wait_dma2 semaphore(%run_scoped3A : memref<!tpu.dma_semaphore, #tpu.memory_space<semaphore_mem>>) src(%arg8 : memref<128x128xf32, #tpu.memory_space<vmem>>) dst(%dma_wait3A_95 : memref<128x128xf32, #tpu.memory_space<vmem_shared>>)
      tpu.yield
    }) : () -> ()
    %mul3A_11 = arith.constant 640 : i32
    %mul3A_12 = arith.muli %arg1, %mul3A_11 : i32
    %add3A_13 = arith.constant 256 : i32
    %add3A_14 = arith.addi %mul3A_12, %add3A_13 : i32
    "tpu.region"() ({
      %run_scoped3A = tpu.sem_alloc : memref<!tpu.dma_semaphore, #tpu.memory_space<semaphore_mem>>
      %dma_start3A = arith.constant 0 : i32
      %dma_start3A_90 = tpu.memref_slice %arg10[%add3A_14, %dma_start3A] : memref<10240x128xf32, #tpu.memory_space<vmem_shared>> -> memref<128x128xf32, #tpu.memory_space<vmem_shared>>
      %dma_start3A_91 = arith.constant 0 : i32
      %dma_start3A_92 = tpu.memref_slice %arg10[%add3A_14, %dma_start3A_91] : memref<10240x128xf32, #tpu.memory_space<vmem_shared>> -> memref<128x128xf32, #tpu.memory_space<vmem_shared>>
      tpu.enqueue_dma source(%arg8 : memref<128x128xf32, #tpu.memory_space<vmem>>) target(%dma_start3A_92 : memref<128x128xf32, #tpu.memory_space<vmem_shared>>) target_semaphore(%run_scoped3A : memref<!tpu.dma_semaphore, #tpu.memory_space<semaphore_mem>>)
      %dma_wait3A = arith.constant 0 : i32
      %dma_wait3A_93 = tpu.memref_slice %arg10[%add3A_14, %dma_wait3A] : memref<10240x128xf32, #tpu.memory_space<vmem_shared>> -> memref<128x128xf32, #tpu.memory_space<vmem_shared>>
      %dma_wait3A_94 = arith.constant 0 : i32
      %dma_wait3A_95 = tpu.memref_slice %arg10[%add3A_14, %dma_wait3A_94] : memref<10240x128xf32, #tpu.memory_space<vmem_shared>> -> memref<128x128xf32, #tpu.memory_space<vmem_shared>>
      tpu.wait_dma2 semaphore(%run_scoped3A : memref<!tpu.dma_semaphore, #tpu.memory_space<semaphore_mem>>) src(%arg8 : memref<128x128xf32, #tpu.memory_space<vmem>>) dst(%dma_wait3A_95 : memref<128x128xf32, #tpu.memory_space<vmem_shared>>)
      tpu.yield
    }) : () -> ()
    %mul3A_15 = arith.constant 640 : i32
    %mul3A_16 = arith.muli %arg1, %mul3A_15 : i32
    %add3A_17 = arith.constant 384 : i32
    %add3A_18 = arith.addi %mul3A_16, %add3A_17 : i32
    "tpu.region"() ({
      %run_scoped3A = tpu.sem_alloc : memref<!tpu.dma_semaphore, #tpu.memory_space<semaphore_mem>>
      %dma_start3A = arith.constant 0 : i32
      %dma_start3A_90 = tpu.memref_slice %arg10[%add3A_18, %dma_start3A] : memref<10240x128xf32, #tpu.memory_space<vmem_shared>> -> memref<128x128xf32, #tpu.memory_space<vmem_shared>>
      %dma_start3A_91 = arith.constant 0 : i32
      %dma_start3A_92 = tpu.memref_slice %arg10[%add3A_18, %dma_start3A_91] : memref<10240x128xf32, #tpu.memory_space<vmem_shared>> -> memref<128x128xf32, #tpu.memory_space<vmem_shared>>
      tpu.enqueue_dma source(%arg8 : memref<128x128xf32, #tpu.memory_space<vmem>>) target(%dma_start3A_92 : memref<128x128xf32, #tpu.memory_space<vmem_shared>>) target_semaphore(%run_scoped3A : memref<!tpu.dma_semaphore, #tpu.memory_space<semaphore_mem>>)
      %dma_wait3A = arith.constant 0 : i32
      %dma_wait3A_93 = tpu.memref_slice %arg10[%add3A_18, %dma_wait3A] : memref<10240x128xf32, #tpu.memory_space<vmem_shared>> -> memref<128x128xf32, #tpu.memory_space<vmem_shared>>
      %dma_wait3A_94 = arith.constant 0 : i32
      %dma_wait3A_95 = tpu.memref_slice %arg10[%add3A_18, %dma_wait3A_94] : memref<10240x128xf32, #tpu.memory_space<vmem_shared>> -> memref<128x128xf32, #tpu.memory_space<vmem_shared>>
      tpu.wait_dma2 semaphore(%run_scoped3A : memref<!tpu.dma_semaphore, #tpu.memory_space<semaphore_mem>>) src(%arg8 : memref<128x128xf32, #tpu.memory_space<vmem>>) dst(%dma_wait3A_95 : memref<128x128xf32, #tpu.memory_space<vmem_shared>>)
      tpu.yield
    }) : () -> ()
    %mul3A_19 = arith.constant 640 : i32
    %mul3A_20 = arith.muli %arg1, %mul3A_19 : i32
    %add3A_21 = arith.constant 512 : i32
    %add3A_22 = arith.addi %mul3A_20, %add3A_21 : i32
    "tpu.region"() ({
      %run_scoped3A = tpu.sem_alloc : memref<!tpu.dma_semaphore, #tpu.memory_space<semaphore_mem>>
      %dma_start3A = arith.constant 0 : i32
      %dma_start3A_90 = tpu.memref_slice %arg10[%add3A_22, %dma_start3A] : memref<10240x128xf32, #tpu.memory_space<vmem_shared>> -> memref<128x128xf32, #tpu.memory_space<vmem_shared>>
      %dma_start3A_91 = arith.constant 0 : i32
      %dma_start3A_92 = tpu.memref_slice %arg10[%add3A_22, %dma_start3A_91] : memref<10240x128xf32, #tpu.memory_space<vmem_shared>> -> memref<128x128xf32, #tpu.memory_space<vmem_shared>>
      tpu.enqueue_dma source(%arg8 : memref<128x128xf32, #tpu.memory_space<vmem>>) target(%dma_start3A_92 : memref<128x128xf32, #tpu.memory_space<vmem_shared>>) target_semaphore(%run_scoped3A : memref<!tpu.dma_semaphore, #tpu.memory_space<semaphore_mem>>)
      %dma_wait3A = arith.constant 0 : i32
      %dma_wait3A_93 = tpu.memref_slice %arg10[%add3A_22, %dma_wait3A] : memref<10240x128xf32, #tpu.memory_space<vmem_shared>> -> memref<128x128xf32, #tpu.memory_space<vmem_shared>>
      %dma_wait3A_94 = arith.constant 0 : i32
      %dma_wait3A_95 = tpu.memref_slice %arg10[%add3A_22, %dma_wait3A_94] : memref<10240x128xf32, #tpu.memory_space<vmem_shared>> -> memref<128x128xf32, #tpu.memory_space<vmem_shared>>
      tpu.wait_dma2 semaphore(%run_scoped3A : memref<!tpu.dma_semaphore, #tpu.memory_space<semaphore_mem>>) src(%arg8 : memref<128x128xf32, #tpu.memory_space<vmem>>) dst(%dma_wait3A_95 : memref<128x128xf32, #tpu.memory_space<vmem_shared>>)
      tpu.yield
    }) : () -> ()
    %barrier3A = arith.constant 0 : index
    tpu.barrier barrier_id(%barrier3A)
    %mul3A_23 = arith.constant 16 : i32
    %mul3A_24 = arith.muli %arg0, %mul3A_23 : i32
    %add3A_25 = arith.addi %mul3A_24, %arg1 : i32
    %mul3A_26 = arith.constant 2 : i32
    %mul3A_27 = arith.muli %add3A_25, %mul3A_26 : i32
    %add3A_28 = arith.constant 0 : i32
    %add3A_29 = arith.addi %mul3A_27, %add3A_28 : i32
    "tpu.region"() ({
      %run_scoped3A = tpu.sem_alloc : memref<!tpu.dma_semaphore, #tpu.memory_space<semaphore_mem>>
      %dma_start3A = arith.constant 0 : i32
      %dma_start3A_90 = arith.constant 0 : i32
      %dma_start3A_91 = tpu.memref_slice %arg3[%add3A_29, %dma_start3A, %dma_start3A_90] : memref<64x40x128xi32, #tpu.memory_space<hbm>> -> memref<1x40x128xi32, #tpu.memory_space<hbm>>
      %dma_start3A_92 = tpu.memref_squeeze %dma_start3A_91 : memref<1x40x128xi32, #tpu.memory_space<hbm>> -> memref<40x128xi32, #tpu.memory_space<hbm>>
      %dma_start3A_93 = arith.constant 0 : i32
      %dma_start3A_94 = arith.constant 0 : i32
      %dma_start3A_95 = tpu.memref_slice %arg3[%add3A_29, %dma_start3A_93, %dma_start3A_94] : memref<64x40x128xi32, #tpu.memory_space<hbm>> -> memref<1x40x128xi32, #tpu.memory_space<hbm>>
      %dma_start3A_96 = tpu.memref_squeeze %dma_start3A_95 : memref<1x40x128xi32, #tpu.memory_space<hbm>> -> memref<40x128xi32, #tpu.memory_space<hbm>>
      tpu.enqueue_dma source(%dma_start3A_96 : memref<40x128xi32, #tpu.memory_space<hbm>>) target(%arg6 : memref<40x128xi32, #tpu.memory_space<vmem>>) target_semaphore(%run_scoped3A : memref<!tpu.dma_semaphore, #tpu.memory_space<semaphore_mem>>)
      %dma_wait3A = arith.constant 0 : i32
      %dma_wait3A_97 = arith.constant 0 : i32
      %dma_wait3A_98 = tpu.memref_slice %arg3[%add3A_29, %dma_wait3A, %dma_wait3A_97] : memref<64x40x128xi32, #tpu.memory_space<hbm>> -> memref<1x40x128xi32, #tpu.memory_space<hbm>>
      %dma_wait3A_99 = tpu.memref_squeeze %dma_wait3A_98 : memref<1x40x128xi32, #tpu.memory_space<hbm>> -> memref<40x128xi32, #tpu.memory_space<hbm>>
      %dma_wait3A_100 = arith.constant 0 : i32
      %dma_wait3A_101 = arith.constant 0 : i32
      %dma_wait3A_102 = tpu.memref_slice %arg3[%add3A_29, %dma_wait3A_100, %dma_wait3A_101] : memref<64x40x128xi32, #tpu.memory_space<hbm>> -> memref<1x40x128xi32, #tpu.memory_space<hbm>>
      %dma_wait3A_103 = tpu.memref_squeeze %dma_wait3A_102 : memref<1x40x128xi32, #tpu.memory_space<hbm>> -> memref<40x128xi32, #tpu.memory_space<hbm>>
      tpu.wait_dma2 semaphore(%run_scoped3A : memref<!tpu.dma_semaphore, #tpu.memory_space<semaphore_mem>>) src(%dma_wait3A_103 : memref<40x128xi32, #tpu.memory_space<hbm>>) dst(%arg6 : memref<40x128xi32, #tpu.memory_space<vmem>>)
      tpu.yield
    }) : () -> ()
    %mul3A_30 = arith.constant 2 : i32
    %mul3A_31 = arith.muli %add3A_25, %mul3A_30 : i32
    %add3A_32 = arith.constant 0 : i32
    %add3A_33 = arith.addi %mul3A_31, %add3A_32 : i32
    "tpu.region"() ({
      %run_scoped3A = tpu.sem_alloc : memref<!tpu.dma_semaphore, #tpu.memory_space<semaphore_mem>>
      %dma_start3A = arith.constant 0 : i32
      %dma_start3A_90 = arith.constant 0 : i32
      %dma_start3A_91 = tpu.memref_slice %arg4[%add3A_33, %dma_start3A, %dma_start3A_90] : memref<64x40x128xi32, #tpu.memory_space<hbm>> -> memref<1x40x128xi32, #tpu.memory_space<hbm>>
      %dma_start3A_92 = tpu.memref_squeeze %dma_start3A_91 : memref<1x40x128xi32, #tpu.memory_space<hbm>> -> memref<40x128xi32, #tpu.memory_space<hbm>>
      %dma_start3A_93 = arith.constant 0 : i32
      %dma_start3A_94 = arith.constant 0 : i32
      %dma_start3A_95 = tpu.memref_slice %arg4[%add3A_33, %dma_start3A_93, %dma_start3A_94] : memref<64x40x128xi32, #tpu.memory_space<hbm>> -> memref<1x40x128xi32, #tpu.memory_space<hbm>>
      %dma_start3A_96 = tpu.memref_squeeze %dma_start3A_95 : memref<1x40x128xi32, #tpu.memory_space<hbm>> -> memref<40x128xi32, #tpu.memory_space<hbm>>
      tpu.enqueue_dma source(%dma_start3A_96 : memref<40x128xi32, #tpu.memory_space<hbm>>) target(%arg7 : memref<40x128xi32, #tpu.memory_space<vmem>>) target_semaphore(%run_scoped3A : memref<!tpu.dma_semaphore, #tpu.memory_space<semaphore_mem>>)
      %dma_wait3A = arith.constant 0 : i32
      %dma_wait3A_97 = arith.constant 0 : i32
      %dma_wait3A_98 = tpu.memref_slice %arg4[%add3A_33, %dma_wait3A, %dma_wait3A_97] : memref<64x40x128xi32, #tpu.memory_space<hbm>> -> memref<1x40x128xi32, #tpu.memory_space<hbm>>
      %dma_wait3A_99 = tpu.memref_squeeze %dma_wait3A_98 : memref<1x40x128xi32, #tpu.memory_space<hbm>> -> memref<40x128xi32, #tpu.memory_space<hbm>>
      %dma_wait3A_100 = arith.constant 0 : i32
      %dma_wait3A_101 = arith.constant 0 : i32
      %dma_wait3A_102 = tpu.memref_slice %arg4[%add3A_33, %dma_wait3A_100, %dma_wait3A_101] : memref<64x40x128xi32, #tpu.memory_space<hbm>> -> memref<1x40x128xi32, #tpu.memory_space<hbm>>
      %dma_wait3A_103 = tpu.memref_squeeze %dma_wait3A_102 : memref<1x40x128xi32, #tpu.memory_space<hbm>> -> memref<40x128xi32, #tpu.memory_space<hbm>>
      tpu.wait_dma2 semaphore(%run_scoped3A : memref<!tpu.dma_semaphore, #tpu.memory_space<semaphore_mem>>) src(%dma_wait3A_103 : memref<40x128xi32, #tpu.memory_space<hbm>>) dst(%arg7 : memref<40x128xi32, #tpu.memory_space<vmem>>)
      tpu.yield
    }) : () -> ()
    %scan3A_34 = arith.constant 0 : i32
    %scan3A_35 = arith.constant 0 : i32
    %scan3A_36 = arith.constant 20 : i32
    %scan3A_37 = arith.addi %scan3A_35, %scan3A_36 : i32
    %scan3A_38 = arith.constant 1 : i32
    scf.for %scan3A_90 = %scan3A_35 to %scan3A_37 step %scan3A_38  : i32 {
      %mul3A_91 = arith.constant 2 : i32
      %mul3A_92 = arith.muli %mul3A_91, %scan3A_90 : i32
      %add3A_93 = arith.constant 0 : i32
      %add3A_94 = arith.addi %mul3A_92, %add3A_93 : i32
      %dma_start3A = arith.constant 0 : i32
      %dma_start3A_95 = tpu.memref_slice %arg6[%add3A_94, %dma_start3A] : memref<40x128xi32, #tpu.memory_space<vmem>> -> memref<1x128xi32, #tpu.memory_space<vmem>>
      %dma_start3A_96 = tpu.memref_squeeze %dma_start3A_95 : memref<1x128xi32, #tpu.memory_space<vmem>> -> memref<128xi32, #tpu.memory_space<vmem>>
      %dma_start3A_97 = arith.constant 0 : i32
      %dma_start3A_98 = arith.constant 0 : i32
      %dma_start3A_99 = tpu.memref_slice %arg2[%dma_start3A_97, %dma_start3A_98] : memref<10000x128xf32, #tpu.memory_space<hbm>> -> memref<10000x128xf32, #tpu.memory_space<hbm>>
      tpu.enqueue_indirect_dma source(%dma_start3A_99 : memref<10000x128xf32, #tpu.memory_space<hbm>>) target(%arg8 : memref<128x128xf32, #tpu.memory_space<vmem>>) offsets(%dma_start3A_96 : memref<128xi32, #tpu.memory_space<vmem>>) semaphore(%arg11 : memref<!tpu.dma_semaphore, #tpu.memory_space<semaphore_mem>>)
      %add3A_100 = arith.constant 1 : i32
      %add3A_101 = arith.addi %mul3A_92, %add3A_100 : i32
      %dma_start3A_102 = arith.constant 0 : i32
      %dma_start3A_103 = tpu.memref_slice %arg6[%add3A_101, %dma_start3A_102] : memref<40x128xi32, #tpu.memory_space<vmem>> -> memref<1x128xi32, #tpu.memory_space<vmem>>
      %dma_start3A_104 = tpu.memref_squeeze %dma_start3A_103 : memref<1x128xi32, #tpu.memory_space<vmem>> -> memref<128xi32, #tpu.memory_space<vmem>>
      %dma_start3A_105 = arith.constant 0 : i32
      %dma_start3A_106 = arith.constant 0 : i32
      %dma_start3A_107 = tpu.memref_slice %arg2[%dma_start3A_105, %dma_start3A_106] : memref<10000x128xf32, #tpu.memory_space<hbm>> -> memref<10000x128xf32, #tpu.memory_space<hbm>>
      tpu.enqueue_indirect_dma source(%dma_start3A_107 : memref<10000x128xf32, #tpu.memory_space<hbm>>) target(%arg9 : memref<128x128xf32, #tpu.memory_space<vmem>>) offsets(%dma_start3A_104 : memref<128xi32, #tpu.memory_space<vmem>>) semaphore(%arg12 : memref<!tpu.dma_semaphore, #tpu.memory_space<semaphore_mem>>)
      %add3A_108 = arith.constant 0 : i32
      %add3A_109 = arith.addi %mul3A_92, %add3A_108 : i32
      %dma_wait3A = arith.constant 0 : i32
      %dma_wait3A_110 = tpu.memref_slice %arg6[%add3A_109, %dma_wait3A] : memref<40x128xi32, #tpu.memory_space<vmem>> -> memref<1x128xi32, #tpu.memory_space<vmem>>
      %dma_wait3A_111 = tpu.memref_squeeze %dma_wait3A_110 : memref<1x128xi32, #tpu.memory_space<vmem>> -> memref<128xi32, #tpu.memory_space<vmem>>
      %dma_wait3A_112 = arith.constant 0 : i32
      %dma_wait3A_113 = arith.constant 0 : i32
      %dma_wait3A_114 = tpu.memref_slice %arg2[%dma_wait3A_112, %dma_wait3A_113] : memref<10000x128xf32, #tpu.memory_space<hbm>> -> memref<10000x128xf32, #tpu.memory_space<hbm>>
      tpu.wait_indirect_dma semaphore(%arg11 : memref<!tpu.dma_semaphore, #tpu.memory_space<semaphore_mem>>) src(%dma_wait3A_114 : memref<10000x128xf32, #tpu.memory_space<hbm>>) dst(%arg8 : memref<128x128xf32, #tpu.memory_space<vmem>>)
      %add3A_115 = arith.constant 0 : i32
      %add3A_116 = arith.addi %mul3A_92, %add3A_115 : i32
      "tpu.region"() ({
        %run_scoped3A = tpu.sem_alloc : memref<!tpu.dma_semaphore, #tpu.memory_space<semaphore_mem>>
        %dma_start3A_127 = arith.constant 0 : i32
        %dma_start3A_128 = tpu.memref_slice %arg7[%add3A_116, %dma_start3A_127] : memref<40x128xi32, #tpu.memory_space<vmem>> -> memref<1x128xi32, #tpu.memory_space<vmem>>
        %dma_start3A_129 = tpu.memref_squeeze %dma_start3A_128 : memref<1x128xi32, #tpu.memory_space<vmem>> -> memref<128xi32, #tpu.memory_space<vmem>>
        %dma_start3A_130 = arith.constant 0 : i32
        %dma_start3A_131 = arith.constant 0 : i32
        %dma_start3A_132 = tpu.memref_slice %arg10[%dma_start3A_130, %dma_start3A_131] : memref<10240x128xf32, #tpu.memory_space<vmem_shared>> -> memref<10240x128xf32, #tpu.memory_space<vmem_shared>>
        tpu.enqueue_indirect_dma source(%arg8 : memref<128x128xf32, #tpu.memory_space<vmem>>) target(%dma_start3A_132 : memref<10240x128xf32, #tpu.memory_space<vmem_shared>>) offsets(%dma_start3A_129 : memref<128xi32, #tpu.memory_space<vmem>>) semaphore(%run_scoped3A : memref<!tpu.dma_semaphore, #tpu.memory_space<semaphore_mem>>) {add = true}
        %dma_wait3A_133 = arith.constant 0 : i32
        %dma_wait3A_134 = tpu.memref_slice %arg7[%add3A_116, %dma_wait3A_133] : memref<40x128xi32, #tpu.memory_space<vmem>> -> memref<1x128xi32, #tpu.memory_space<vmem>>
        %dma_wait3A_135 = tpu.memref_squeeze %dma_wait3A_134 : memref<1x128xi32, #tpu.memory_space<vmem>> -> memref<128xi32, #tpu.memory_space<vmem>>
        %dma_wait3A_136 = arith.constant 0 : i32
        %dma_wait3A_137 = arith.constant 0 : i32
        %dma_wait3A_138 = tpu.memref_slice %arg10[%dma_wait3A_136, %dma_wait3A_137] : memref<10240x128xf32, #tpu.memory_space<vmem_shared>> -> memref<10240x128xf32, #tpu.memory_space<vmem_shared>>
        tpu.wait_indirect_dma semaphore(%run_scoped3A : memref<!tpu.dma_semaphore, #tpu.memory_space<semaphore_mem>>) src(%arg8 : memref<128x128xf32, #tpu.memory_space<vmem>>) dst(%dma_wait3A_138 : memref<10240x128xf32, #tpu.memory_space<vmem_shared>>)
        tpu.yield
      }) : () -> ()
      %add3A_117 = arith.constant 1 : i32
      %add3A_118 = arith.addi %mul3A_92, %add3A_117 : i32
      %dma_wait3A_119 = arith.constant 0 : i32
      %dma_wait3A_120 = tpu.memref_slice %arg6[%add3A_118, %dma_wait3A_119] : memref<40x128xi32, #tpu.memory_space<vmem>> -> memref<1x128xi32, #tpu.memory_space<vmem>>
      %dma_wait3A_121 = tpu.memref_squeeze %dma_wait3A_120 : memref<1x128xi32, #tpu.memory_space<vmem>> -> memref<128xi32, #tpu.memory_space<vmem>>
      %dma_wait3A_122 = arith.constant 0 : i32
      %dma_wait3A_123 = arith.constant 0 : i32
      %dma_wait3A_124 = tpu.memref_slice %arg2[%dma_wait3A_122, %dma_wait3A_123] : memref<10000x128xf32, #tpu.memory_space<hbm>> -> memref<10000x128xf32, #tpu.memory_space<hbm>>
      tpu.wait_indirect_dma semaphore(%arg12 : memref<!tpu.dma_semaphore, #tpu.memory_space<semaphore_mem>>) src(%dma_wait3A_124 : memref<10000x128xf32, #tpu.memory_space<hbm>>) dst(%arg9 : memref<128x128xf32, #tpu.memory_space<vmem>>)
      %add3A_125 = arith.constant 1 : i32
      %add3A_126 = arith.addi %mul3A_92, %add3A_125 : i32
      "tpu.region"() ({
        %run_scoped3A = tpu.sem_alloc : memref<!tpu.dma_semaphore, #tpu.memory_space<semaphore_mem>>
        %dma_start3A_127 = arith.constant 0 : i32
        %dma_start3A_128 = tpu.memref_slice %arg7[%add3A_126, %dma_start3A_127] : memref<40x128xi32, #tpu.memory_space<vmem>> -> memref<1x128xi32, #tpu.memory_space<vmem>>
        %dma_start3A_129 = tpu.memref_squeeze %dma_start3A_128 : memref<1x128xi32, #tpu.memory_space<vmem>> -> memref<128xi32, #tpu.memory_space<vmem>>
        %dma_start3A_130 = arith.constant 0 : i32
        %dma_start3A_131 = arith.constant 0 : i32
        %dma_start3A_132 = tpu.memref_slice %arg10[%dma_start3A_130, %dma_start3A_131] : memref<10240x128xf32, #tpu.memory_space<vmem_shared>> -> memref<10240x128xf32, #tpu.memory_space<vmem_shared>>
        tpu.enqueue_indirect_dma source(%arg9 : memref<128x128xf32, #tpu.memory_space<vmem>>) target(%dma_start3A_132 : memref<10240x128xf32, #tpu.memory_space<vmem_shared>>) offsets(%dma_start3A_129 : memref<128xi32, #tpu.memory_space<vmem>>) semaphore(%run_scoped3A : memref<!tpu.dma_semaphore, #tpu.memory_space<semaphore_mem>>) {add = true}
        %dma_wait3A_133 = arith.constant 0 : i32
        %dma_wait3A_134 = tpu.memref_slice %arg7[%add3A_126, %dma_wait3A_133] : memref<40x128xi32, #tpu.memory_space<vmem>> -> memref<1x128xi32, #tpu.memory_space<vmem>>
        %dma_wait3A_135 = tpu.memref_squeeze %dma_wait3A_134 : memref<1x128xi32, #tpu.memory_space<vmem>> -> memref<128xi32, #tpu.memory_space<vmem>>
        %dma_wait3A_136 = arith.constant 0 : i32
        %dma_wait3A_137 = arith.constant 0 : i32
        %dma_wait3A_138 = tpu.memref_slice %arg10[%dma_wait3A_136, %dma_wait3A_137] : memref<10240x128xf32, #tpu.memory_space<vmem_shared>> -> memref<10240x128xf32, #tpu.memory_space<vmem_shared>>
        tpu.wait_indirect_dma semaphore(%run_scoped3A : memref<!tpu.dma_semaphore, #tpu.memory_space<semaphore_mem>>) src(%arg9 : memref<128x128xf32, #tpu.memory_space<vmem>>) dst(%dma_wait3A_138 : memref<10240x128xf32, #tpu.memory_space<vmem_shared>>)
        tpu.yield
      }) : () -> ()
    }
    %scan3A_39 = arith.constant 20 : i32
    %mul3A_40 = arith.constant 2 : i32
    %mul3A_41 = arith.muli %add3A_25, %mul3A_40 : i32
    %add3A_42 = arith.constant 1 : i32
    %add3A_43 = arith.addi %mul3A_41, %add3A_42 : i32
    "tpu.region"() ({
      %run_scoped3A = tpu.sem_alloc : memref<!tpu.dma_semaphore, #tpu.memory_space<semaphore_mem>>
      %dma_start3A = arith.constant 0 : i32
      %dma_start3A_90 = arith.constant 0 : i32
      %dma_start3A_91 = tpu.memref_slice %arg3[%add3A_43, %dma_start3A, %dma_start3A_90] : memref<64x40x128xi32, #tpu.memory_space<hbm>> -> memref<1x40x128xi32, #tpu.memory_space<hbm>>
      %dma_start3A_92 = tpu.memref_squeeze %dma_start3A_91 : memref<1x40x128xi32, #tpu.memory_space<hbm>> -> memref<40x128xi32, #tpu.memory_space<hbm>>
      %dma_start3A_93 = arith.constant 0 : i32
      %dma_start3A_94 = arith.constant 0 : i32
      %dma_start3A_95 = tpu.memref_slice %arg3[%add3A_43, %dma_start3A_93, %dma_start3A_94] : memref<64x40x128xi32, #tpu.memory_space<hbm>> -> memref<1x40x128xi32, #tpu.memory_space<hbm>>
      %dma_start3A_96 = tpu.memref_squeeze %dma_start3A_95 : memref<1x40x128xi32, #tpu.memory_space<hbm>> -> memref<40x128xi32, #tpu.memory_space<hbm>>
      tpu.enqueue_dma source(%dma_start3A_96 : memref<40x128xi32, #tpu.memory_space<hbm>>) target(%arg6 : memref<40x128xi32, #tpu.memory_space<vmem>>) target_semaphore(%run_scoped3A : memref<!tpu.dma_semaphore, #tpu.memory_space<semaphore_mem>>)
      %dma_wait3A = arith.constant 0 : i32
      %dma_wait3A_97 = arith.constant 0 : i32
      %dma_wait3A_98 = tpu.memref_slice %arg3[%add3A_43, %dma_wait3A, %dma_wait3A_97] : memref<64x40x128xi32, #tpu.memory_space<hbm>> -> memref<1x40x128xi32, #tpu.memory_space<hbm>>
      %dma_wait3A_99 = tpu.memref_squeeze %dma_wait3A_98 : memref<1x40x128xi32, #tpu.memory_space<hbm>> -> memref<40x128xi32, #tpu.memory_space<hbm>>
      %dma_wait3A_100 = arith.constant 0 : i32
      %dma_wait3A_101 = arith.constant 0 : i32
      %dma_wait3A_102 = tpu.memref_slice %arg3[%add3A_43, %dma_wait3A_100, %dma_wait3A_101] : memref<64x40x128xi32, #tpu.memory_space<hbm>> -> memref<1x40x128xi32, #tpu.memory_space<hbm>>
      %dma_wait3A_103 = tpu.memref_squeeze %dma_wait3A_102 : memref<1x40x128xi32, #tpu.memory_space<hbm>> -> memref<40x128xi32, #tpu.memory_space<hbm>>
      tpu.wait_dma2 semaphore(%run_scoped3A : memref<!tpu.dma_semaphore, #tpu.memory_space<semaphore_mem>>) src(%dma_wait3A_103 : memref<40x128xi32, #tpu.memory_space<hbm>>) dst(%arg6 : memref<40x128xi32, #tpu.memory_space<vmem>>)
      tpu.yield
    }) : () -> ()
    %mul3A_44 = arith.constant 2 : i32
    %mul3A_45 = arith.muli %add3A_25, %mul3A_44 : i32
    %add3A_46 = arith.constant 1 : i32
    %add3A_47 = arith.addi %mul3A_45, %add3A_46 : i32
    "tpu.region"() ({
      %run_scoped3A = tpu.sem_alloc : memref<!tpu.dma_semaphore, #tpu.memory_space<semaphore_mem>>
      %dma_start3A = arith.constant 0 : i32
      %dma_start3A_90 = arith.constant 0 : i32
      %dma_start3A_91 = tpu.memref_slice %arg4[%add3A_47, %dma_start3A, %dma_start3A_90] : memref<64x40x128xi32, #tpu.memory_space<hbm>> -> memref<1x40x128xi32, #tpu.memory_space<hbm>>
      %dma_start3A_92 = tpu.memref_squeeze %dma_start3A_91 : memref<1x40x128xi32, #tpu.memory_space<hbm>> -> memref<40x128xi32, #tpu.memory_space<hbm>>
      %dma_start3A_93 = arith.constant 0 : i32
      %dma_start3A_94 = arith.constant 0 : i32
      %dma_start3A_95 = tpu.memref_slice %arg4[%add3A_47, %dma_start3A_93, %dma_start3A_94] : memref<64x40x128xi32, #tpu.memory_space<hbm>> -> memref<1x40x128xi32, #tpu.memory_space<hbm>>
      %dma_start3A_96 = tpu.memref_squeeze %dma_start3A_95 : memref<1x40x128xi32, #tpu.memory_space<hbm>> -> memref<40x128xi32, #tpu.memory_space<hbm>>
      tpu.enqueue_dma source(%dma_start3A_96 : memref<40x128xi32, #tpu.memory_space<hbm>>) target(%arg7 : memref<40x128xi32, #tpu.memory_space<vmem>>) target_semaphore(%run_scoped3A : memref<!tpu.dma_semaphore, #tpu.memory_space<semaphore_mem>>)
      %dma_wait3A = arith.constant 0 : i32
      %dma_wait3A_97 = arith.constant 0 : i32
      %dma_wait3A_98 = tpu.memref_slice %arg4[%add3A_47, %dma_wait3A, %dma_wait3A_97] : memref<64x40x128xi32, #tpu.memory_space<hbm>> -> memref<1x40x128xi32, #tpu.memory_space<hbm>>
      %dma_wait3A_99 = tpu.memref_squeeze %dma_wait3A_98 : memref<1x40x128xi32, #tpu.memory_space<hbm>> -> memref<40x128xi32, #tpu.memory_space<hbm>>
      %dma_wait3A_100 = arith.constant 0 : i32
      %dma_wait3A_101 = arith.constant 0 : i32
      %dma_wait3A_102 = tpu.memref_slice %arg4[%add3A_47, %dma_wait3A_100, %dma_wait3A_101] : memref<64x40x128xi32, #tpu.memory_space<hbm>> -> memref<1x40x128xi32, #tpu.memory_space<hbm>>
      %dma_wait3A_103 = tpu.memref_squeeze %dma_wait3A_102 : memref<1x40x128xi32, #tpu.memory_space<hbm>> -> memref<40x128xi32, #tpu.memory_space<hbm>>
      tpu.wait_dma2 semaphore(%run_scoped3A : memref<!tpu.dma_semaphore, #tpu.memory_space<semaphore_mem>>) src(%dma_wait3A_103 : memref<40x128xi32, #tpu.memory_space<hbm>>) dst(%arg7 : memref<40x128xi32, #tpu.memory_space<vmem>>)
      tpu.yield
    }) : () -> ()
    %scan3A_48 = arith.constant 0 : i32
    %scan3A_49 = arith.constant 0 : i32
    %scan3A_50 = arith.constant 20 : i32
    %scan3A_51 = arith.addi %scan3A_49, %scan3A_50 : i32
    %scan3A_52 = arith.constant 1 : i32
    scf.for %scan3A_90 = %scan3A_49 to %scan3A_51 step %scan3A_52  : i32 {
      %mul3A_91 = arith.constant 2 : i32
      %mul3A_92 = arith.muli %mul3A_91, %scan3A_90 : i32
      %add3A_93 = arith.constant 0 : i32
      %add3A_94 = arith.addi %mul3A_92, %add3A_93 : i32
      %dma_start3A = arith.constant 0 : i32
      %dma_start3A_95 = tpu.memref_slice %arg6[%add3A_94, %dma_start3A] : memref<40x128xi32, #tpu.memory_space<vmem>> -> memref<1x128xi32, #tpu.memory_space<vmem>>
      %dma_start3A_96 = tpu.memref_squeeze %dma_start3A_95 : memref<1x128xi32, #tpu.memory_space<vmem>> -> memref<128xi32, #tpu.memory_space<vmem>>
      %dma_start3A_97 = arith.constant 0 : i32
      %dma_start3A_98 = arith.constant 0 : i32
      %dma_start3A_99 = tpu.memref_slice %arg2[%dma_start3A_97, %dma_start3A_98] : memref<10000x128xf32, #tpu.memory_space<hbm>> -> memref<10000x128xf32, #tpu.memory_space<hbm>>
      tpu.enqueue_indirect_dma source(%dma_start3A_99 : memref<10000x128xf32, #tpu.memory_space<hbm>>) target(%arg8 : memref<128x128xf32, #tpu.memory_space<vmem>>) offsets(%dma_start3A_96 : memref<128xi32, #tpu.memory_space<vmem>>) semaphore(%arg11 : memref<!tpu.dma_semaphore, #tpu.memory_space<semaphore_mem>>)
      %add3A_100 = arith.constant 1 : i32
      %add3A_101 = arith.addi %mul3A_92, %add3A_100 : i32
      %dma_start3A_102 = arith.constant 0 : i32
      %dma_start3A_103 = tpu.memref_slice %arg6[%add3A_101, %dma_start3A_102] : memref<40x128xi32, #tpu.memory_space<vmem>> -> memref<1x128xi32, #tpu.memory_space<vmem>>
      %dma_start3A_104 = tpu.memref_squeeze %dma_start3A_103 : memref<1x128xi32, #tpu.memory_space<vmem>> -> memref<128xi32, #tpu.memory_space<vmem>>
      %dma_start3A_105 = arith.constant 0 : i32
      %dma_start3A_106 = arith.constant 0 : i32
      %dma_start3A_107 = tpu.memref_slice %arg2[%dma_start3A_105, %dma_start3A_106] : memref<10000x128xf32, #tpu.memory_space<hbm>> -> memref<10000x128xf32, #tpu.memory_space<hbm>>
      tpu.enqueue_indirect_dma source(%dma_start3A_107 : memref<10000x128xf32, #tpu.memory_space<hbm>>) target(%arg9 : memref<128x128xf32, #tpu.memory_space<vmem>>) offsets(%dma_start3A_104 : memref<128xi32, #tpu.memory_space<vmem>>) semaphore(%arg12 : memref<!tpu.dma_semaphore, #tpu.memory_space<semaphore_mem>>)
      %add3A_108 = arith.constant 0 : i32
      %add3A_109 = arith.addi %mul3A_92, %add3A_108 : i32
      %dma_wait3A = arith.constant 0 : i32
      %dma_wait3A_110 = tpu.memref_slice %arg6[%add3A_109, %dma_wait3A] : memref<40x128xi32, #tpu.memory_space<vmem>> -> memref<1x128xi32, #tpu.memory_space<vmem>>
      %dma_wait3A_111 = tpu.memref_squeeze %dma_wait3A_110 : memref<1x128xi32, #tpu.memory_space<vmem>> -> memref<128xi32, #tpu.memory_space<vmem>>
      %dma_wait3A_112 = arith.constant 0 : i32
      %dma_wait3A_113 = arith.constant 0 : i32
      %dma_wait3A_114 = tpu.memref_slice %arg2[%dma_wait3A_112, %dma_wait3A_113] : memref<10000x128xf32, #tpu.memory_space<hbm>> -> memref<10000x128xf32, #tpu.memory_space<hbm>>
      tpu.wait_indirect_dma semaphore(%arg11 : memref<!tpu.dma_semaphore, #tpu.memory_space<semaphore_mem>>) src(%dma_wait3A_114 : memref<10000x128xf32, #tpu.memory_space<hbm>>) dst(%arg8 : memref<128x128xf32, #tpu.memory_space<vmem>>)
      %add3A_115 = arith.constant 0 : i32
      %add3A_116 = arith.addi %mul3A_92, %add3A_115 : i32
      "tpu.region"() ({
        %run_scoped3A = tpu.sem_alloc : memref<!tpu.dma_semaphore, #tpu.memory_space<semaphore_mem>>
        %dma_start3A_127 = arith.constant 0 : i32
        %dma_start3A_128 = tpu.memref_slice %arg7[%add3A_116, %dma_start3A_127] : memref<40x128xi32, #tpu.memory_space<vmem>> -> memref<1x128xi32, #tpu.memory_space<vmem>>
        %dma_start3A_129 = tpu.memref_squeeze %dma_start3A_128 : memref<1x128xi32, #tpu.memory_space<vmem>> -> memref<128xi32, #tpu.memory_space<vmem>>
        %dma_start3A_130 = arith.constant 0 : i32
        %dma_start3A_131 = arith.constant 0 : i32
        %dma_start3A_132 = tpu.memref_slice %arg10[%dma_start3A_130, %dma_start3A_131] : memref<10240x128xf32, #tpu.memory_space<vmem_shared>> -> memref<10240x128xf32, #tpu.memory_space<vmem_shared>>
        tpu.enqueue_indirect_dma source(%arg8 : memref<128x128xf32, #tpu.memory_space<vmem>>) target(%dma_start3A_132 : memref<10240x128xf32, #tpu.memory_space<vmem_shared>>) offsets(%dma_start3A_129 : memref<128xi32, #tpu.memory_space<vmem>>) semaphore(%run_scoped3A : memref<!tpu.dma_semaphore, #tpu.memory_space<semaphore_mem>>) {add = true}
        %dma_wait3A_133 = arith.constant 0 : i32
        %dma_wait3A_134 = tpu.memref_slice %arg7[%add3A_116, %dma_wait3A_133] : memref<40x128xi32, #tpu.memory_space<vmem>> -> memref<1x128xi32, #tpu.memory_space<vmem>>
        %dma_wait3A_135 = tpu.memref_squeeze %dma_wait3A_134 : memref<1x128xi32, #tpu.memory_space<vmem>> -> memref<128xi32, #tpu.memory_space<vmem>>
        %dma_wait3A_136 = arith.constant 0 : i32
        %dma_wait3A_137 = arith.constant 0 : i32
        %dma_wait3A_138 = tpu.memref_slice %arg10[%dma_wait3A_136, %dma_wait3A_137] : memref<10240x128xf32, #tpu.memory_space<vmem_shared>> -> memref<10240x128xf32, #tpu.memory_space<vmem_shared>>
        tpu.wait_indirect_dma semaphore(%run_scoped3A : memref<!tpu.dma_semaphore, #tpu.memory_space<semaphore_mem>>) src(%arg8 : memref<128x128xf32, #tpu.memory_space<vmem>>) dst(%dma_wait3A_138 : memref<10240x128xf32, #tpu.memory_space<vmem_shared>>)
        tpu.yield
      }) : () -> ()
      %add3A_117 = arith.constant 1 : i32
      %add3A_118 = arith.addi %mul3A_92, %add3A_117 : i32
      %dma_wait3A_119 = arith.constant 0 : i32
      %dma_wait3A_120 = tpu.memref_slice %arg6[%add3A_118, %dma_wait3A_119] : memref<40x128xi32, #tpu.memory_space<vmem>> -> memref<1x128xi32, #tpu.memory_space<vmem>>
      %dma_wait3A_121 = tpu.memref_squeeze %dma_wait3A_120 : memref<1x128xi32, #tpu.memory_space<vmem>> -> memref<128xi32, #tpu.memory_space<vmem>>
      %dma_wait3A_122 = arith.constant 0 : i32
      %dma_wait3A_123 = arith.constant 0 : i32
      %dma_wait3A_124 = tpu.memref_slice %arg2[%dma_wait3A_122, %dma_wait3A_123] : memref<10000x128xf32, #tpu.memory_space<hbm>> -> memref<10000x128xf32, #tpu.memory_space<hbm>>
      tpu.wait_indirect_dma semaphore(%arg12 : memref<!tpu.dma_semaphore, #tpu.memory_space<semaphore_mem>>) src(%dma_wait3A_124 : memref<10000x128xf32, #tpu.memory_space<hbm>>) dst(%arg9 : memref<128x128xf32, #tpu.memory_space<vmem>>)
      %add3A_125 = arith.constant 1 : i32
      %add3A_126 = arith.addi %mul3A_92, %add3A_125 : i32
      "tpu.region"() ({
        %run_scoped3A = tpu.sem_alloc : memref<!tpu.dma_semaphore, #tpu.memory_space<semaphore_mem>>
        %dma_start3A_127 = arith.constant 0 : i32
        %dma_start3A_128 = tpu.memref_slice %arg7[%add3A_126, %dma_start3A_127] : memref<40x128xi32, #tpu.memory_space<vmem>> -> memref<1x128xi32, #tpu.memory_space<vmem>>
        %dma_start3A_129 = tpu.memref_squeeze %dma_start3A_128 : memref<1x128xi32, #tpu.memory_space<vmem>> -> memref<128xi32, #tpu.memory_space<vmem>>
        %dma_start3A_130 = arith.constant 0 : i32
        %dma_start3A_131 = arith.constant 0 : i32
        %dma_start3A_132 = tpu.memref_slice %arg10[%dma_start3A_130, %dma_start3A_131] : memref<10240x128xf32, #tpu.memory_space<vmem_shared>> -> memref<10240x128xf32, #tpu.memory_space<vmem_shared>>
        tpu.enqueue_indirect_dma source(%arg9 : memref<128x128xf32, #tpu.memory_space<vmem>>) target(%dma_start3A_132 : memref<10240x128xf32, #tpu.memory_space<vmem_shared>>) offsets(%dma_start3A_129 : memref<128xi32, #tpu.memory_space<vmem>>) semaphore(%run_scoped3A : memref<!tpu.dma_semaphore, #tpu.memory_space<semaphore_mem>>) {add = true}
        %dma_wait3A_133 = arith.constant 0 : i32
        %dma_wait3A_134 = tpu.memref_slice %arg7[%add3A_126, %dma_wait3A_133] : memref<40x128xi32, #tpu.memory_space<vmem>> -> memref<1x128xi32, #tpu.memory_space<vmem>>
        %dma_wait3A_135 = tpu.memref_squeeze %dma_wait3A_134 : memref<1x128xi32, #tpu.memory_space<vmem>> -> memref<128xi32, #tpu.memory_space<vmem>>
        %dma_wait3A_136 = arith.constant 0 : i32
        %dma_wait3A_137 = arith.constant 0 : i32
        %dma_wait3A_138 = tpu.memref_slice %arg10[%dma_wait3A_136, %dma_wait3A_137] : memref<10240x128xf32, #tpu.memory_space<vmem_shared>> -> memref<10240x128xf32, #tpu.memory_space<vmem_shared>>
        tpu.wait_indirect_dma semaphore(%run_scoped3A : memref<!tpu.dma_semaphore, #tpu.memory_space<semaphore_mem>>) src(%arg9 : memref<128x128xf32, #tpu.memory_space<vmem>>) dst(%dma_wait3A_138 : memref<10240x128xf32, #tpu.memory_space<vmem_shared>>)
        tpu.yield
      }) : () -> ()
    }
    %scan3A_53 = arith.constant 20 : i32
    %barrier3A_54 = arith.constant 0 : index
    tpu.barrier barrier_id(%barrier3A_54)
    %mul3A_55 = arith.constant 640 : i32
    %mul3A_56 = arith.muli %arg1, %mul3A_55 : i32
    %add3A_57 = arith.constant 0 : i32
    %add3A_58 = arith.addi %mul3A_56, %add3A_57 : i32
    %mul3A_59 = arith.constant 10240 : i32
    %mul3A_60 = arith.muli %arg0, %mul3A_59 : i32
    %add3A_61 = arith.addi %mul3A_60, %add3A_58 : i32
    "tpu.region"() ({
      %run_scoped3A = tpu.sem_alloc : memref<!tpu.dma_semaphore, #tpu.memory_space<semaphore_mem>>
      %dma_start3A = arith.constant 0 : i32
      %dma_start3A_90 = tpu.memref_slice %arg5[%add3A_61, %dma_start3A] : memref<20480x128xf32, #tpu.memory_space<hbm>> -> memref<128x128xf32, #tpu.memory_space<hbm>>
      %dma_start3A_91 = arith.constant 0 : i32
      %dma_start3A_92 = tpu.memref_slice %arg10[%add3A_58, %dma_start3A_91] : memref<10240x128xf32, #tpu.memory_space<vmem_shared>> -> memref<128x128xf32, #tpu.memory_space<vmem_shared>>
      tpu.enqueue_dma source(%dma_start3A_92 : memref<128x128xf32, #tpu.memory_space<vmem_shared>>) target(%dma_start3A_90 : memref<128x128xf32, #tpu.memory_space<hbm>>) target_semaphore(%run_scoped3A : memref<!tpu.dma_semaphore, #tpu.memory_space<semaphore_mem>>)
      %dma_wait3A = arith.constant 0 : i32
      %dma_wait3A_93 = tpu.memref_slice %arg5[%add3A_61, %dma_wait3A] : memref<20480x128xf32, #tpu.memory_space<hbm>> -> memref<128x128xf32, #tpu.memory_space<hbm>>
      %dma_wait3A_94 = arith.constant 0 : i32
      %dma_wait3A_95 = tpu.memref_slice %arg10[%add3A_58, %dma_wait3A_94] : memref<10240x128xf32, #tpu.memory_space<vmem_shared>> -> memref<128x128xf32, #tpu.memory_space<vmem_shared>>
      tpu.wait_dma2 semaphore(%run_scoped3A : memref<!tpu.dma_semaphore, #tpu.memory_space<semaphore_mem>>) src(%dma_wait3A_95 : memref<128x128xf32, #tpu.memory_space<vmem_shared>>) dst(%dma_wait3A_93 : memref<128x128xf32, #tpu.memory_space<hbm>>)
      tpu.yield
    }) : () -> ()
    %mul3A_62 = arith.constant 640 : i32
    %mul3A_63 = arith.muli %arg1, %mul3A_62 : i32
    %add3A_64 = arith.constant 128 : i32
    %add3A_65 = arith.addi %mul3A_63, %add3A_64 : i32
    %mul3A_66 = arith.constant 10240 : i32
    %mul3A_67 = arith.muli %arg0, %mul3A_66 : i32
    %add3A_68 = arith.addi %mul3A_67, %add3A_65 : i32
    "tpu.region"() ({
      %run_scoped3A = tpu.sem_alloc : memref<!tpu.dma_semaphore, #tpu.memory_space<semaphore_mem>>
      %dma_start3A = arith.constant 0 : i32
      %dma_start3A_90 = tpu.memref_slice %arg5[%add3A_68, %dma_start3A] : memref<20480x128xf32, #tpu.memory_space<hbm>> -> memref<128x128xf32, #tpu.memory_space<hbm>>
      %dma_start3A_91 = arith.constant 0 : i32
      %dma_start3A_92 = tpu.memref_slice %arg10[%add3A_65, %dma_start3A_91] : memref<10240x128xf32, #tpu.memory_space<vmem_shared>> -> memref<128x128xf32, #tpu.memory_space<vmem_shared>>
      tpu.enqueue_dma source(%dma_start3A_92 : memref<128x128xf32, #tpu.memory_space<vmem_shared>>) target(%dma_start3A_90 : memref<128x128xf32, #tpu.memory_space<hbm>>) target_semaphore(%run_scoped3A : memref<!tpu.dma_semaphore, #tpu.memory_space<semaphore_mem>>)
      %dma_wait3A = arith.constant 0 : i32
      %dma_wait3A_93 = tpu.memref_slice %arg5[%add3A_68, %dma_wait3A] : memref<20480x128xf32, #tpu.memory_space<hbm>> -> memref<128x128xf32, #tpu.memory_space<hbm>>
      %dma_wait3A_94 = arith.constant 0 : i32
      %dma_wait3A_95 = tpu.memref_slice %arg10[%add3A_65, %dma_wait3A_94] : memref<10240x128xf32, #tpu.memory_space<vmem_shared>> -> memref<128x128xf32, #tpu.memory_space<vmem_shared>>
      tpu.wait_dma2 semaphore(%run_scoped3A : memref<!tpu.dma_semaphore, #tpu.memory_space<semaphore_mem>>) src(%dma_wait3A_95 : memref<128x128xf32, #tpu.memory_space<vmem_shared>>) dst(%dma_wait3A_93 : memref<128x128xf32, #tpu.memory_space<hbm>>)
      tpu.yield
    }) : () -> ()
    %mul3A_69 = arith.constant 640 : i32
    %mul3A_70 = arith.muli %arg1, %mul3A_69 : i32
    %add3A_71 = arith.constant 256 : i32
    %add3A_72 = arith.addi %mul3A_70, %add3A_71 : i32
    %mul3A_73 = arith.constant 10240 : i32
    %mul3A_74 = arith.muli %arg0, %mul3A_73 : i32
    %add3A_75 = arith.addi %mul3A_74, %add3A_72 : i32
    "tpu.region"() ({
      %run_scoped3A = tpu.sem_alloc : memref<!tpu.dma_semaphore, #tpu.memory_space<semaphore_mem>>
      %dma_start3A = arith.constant 0 : i32
      %dma_start3A_90 = tpu.memref_slice %arg5[%add3A_75, %dma_start3A] : memref<20480x128xf32, #tpu.memory_space<hbm>> -> memref<128x128xf32, #tpu.memory_space<hbm>>
      %dma_start3A_91 = arith.constant 0 : i32
      %dma_start3A_92 = tpu.memref_slice %arg10[%add3A_72, %dma_start3A_91] : memref<10240x128xf32, #tpu.memory_space<vmem_shared>> -> memref<128x128xf32, #tpu.memory_space<vmem_shared>>
      tpu.enqueue_dma source(%dma_start3A_92 : memref<128x128xf32, #tpu.memory_space<vmem_shared>>) target(%dma_start3A_90 : memref<128x128xf32, #tpu.memory_space<hbm>>) target_semaphore(%run_scoped3A : memref<!tpu.dma_semaphore, #tpu.memory_space<semaphore_mem>>)
      %dma_wait3A = arith.constant 0 : i32
      %dma_wait3A_93 = tpu.memref_slice %arg5[%add3A_75, %dma_wait3A] : memref<20480x128xf32, #tpu.memory_space<hbm>> -> memref<128x128xf32, #tpu.memory_space<hbm>>
      %dma_wait3A_94 = arith.constant 0 : i32
      %dma_wait3A_95 = tpu.memref_slice %arg10[%add3A_72, %dma_wait3A_94] : memref<10240x128xf32, #tpu.memory_space<vmem_shared>> -> memref<128x128xf32, #tpu.memory_space<vmem_shared>>
      tpu.wait_dma2 semaphore(%run_scoped3A : memref<!tpu.dma_semaphore, #tpu.memory_space<semaphore_mem>>) src(%dma_wait3A_95 : memref<128x128xf32, #tpu.memory_space<vmem_shared>>) dst(%dma_wait3A_93 : memref<128x128xf32, #tpu.memory_space<hbm>>)
      tpu.yield
    }) : () -> ()
    %mul3A_76 = arith.constant 640 : i32
    %mul3A_77 = arith.muli %arg1, %mul3A_76 : i32
    %add3A_78 = arith.constant 384 : i32
    %add3A_79 = arith.addi %mul3A_77, %add3A_78 : i32
    %mul3A_80 = arith.constant 10240 : i32
    %mul3A_81 = arith.muli %arg0, %mul3A_80 : i32
    %add3A_82 = arith.addi %mul3A_81, %add3A_79 : i32
    "tpu.region"() ({
      %run_scoped3A = tpu.sem_alloc : memref<!tpu.dma_semaphore, #tpu.memory_space<semaphore_mem>>
      %dma_start3A = arith.constant 0 : i32
      %dma_start3A_90 = tpu.memref_slice %arg5[%add3A_82, %dma_start3A] : memref<20480x128xf32, #tpu.memory_space<hbm>> -> memref<128x128xf32, #tpu.memory_space<hbm>>
      %dma_start3A_91 = arith.constant 0 : i32
      %dma_start3A_92 = tpu.memref_slice %arg10[%add3A_79, %dma_start3A_91] : memref<10240x128xf32, #tpu.memory_space<vmem_shared>> -> memref<128x128xf32, #tpu.memory_space<vmem_shared>>
      tpu.enqueue_dma source(%dma_start3A_92 : memref<128x128xf32, #tpu.memory_space<vmem_shared>>) target(%dma_start3A_90 : memref<128x128xf32, #tpu.memory_space<hbm>>) target_semaphore(%run_scoped3A : memref<!tpu.dma_semaphore, #tpu.memory_space<semaphore_mem>>)
      %dma_wait3A = arith.constant 0 : i32
      %dma_wait3A_93 = tpu.memref_slice %arg5[%add3A_82, %dma_wait3A] : memref<20480x128xf32, #tpu.memory_space<hbm>> -> memref<128x128xf32, #tpu.memory_space<hbm>>
      %dma_wait3A_94 = arith.constant 0 : i32
      %dma_wait3A_95 = tpu.memref_slice %arg10[%add3A_79, %dma_wait3A_94] : memref<10240x128xf32, #tpu.memory_space<vmem_shared>> -> memref<128x128xf32, #tpu.memory_space<vmem_shared>>
      tpu.wait_dma2 semaphore(%run_scoped3A : memref<!tpu.dma_semaphore, #tpu.memory_space<semaphore_mem>>) src(%dma_wait3A_95 : memref<128x128xf32, #tpu.memory_space<vmem_shared>>) dst(%dma_wait3A_93 : memref<128x128xf32, #tpu.memory_space<hbm>>)
      tpu.yield
    }) : () -> ()
    %mul3A_83 = arith.constant 640 : i32
    %mul3A_84 = arith.muli %arg1, %mul3A_83 : i32
    %add3A_85 = arith.constant 512 : i32
    %add3A_86 = arith.addi %mul3A_84, %add3A_85 : i32
    %mul3A_87 = arith.constant 10240 : i32
    %mul3A_88 = arith.muli %arg0, %mul3A_87 : i32
    %add3A_89 = arith.addi %mul3A_88, %add3A_86 : i32
    "tpu.region"() ({
      %run_scoped3A = tpu.sem_alloc : memref<!tpu.dma_semaphore, #tpu.memory_space<semaphore_mem>>
      %dma_start3A = arith.constant 0 : i32
      %dma_start3A_90 = tpu.memref_slice %arg5[%add3A_89, %dma_start3A] : memref<20480x128xf32, #tpu.memory_space<hbm>> -> memref<128x128xf32, #tpu.memory_space<hbm>>
      %dma_start3A_91 = arith.constant 0 : i32
      %dma_start3A_92 = tpu.memref_slice %arg10[%add3A_86, %dma_start3A_91] : memref<10240x128xf32, #tpu.memory_space<vmem_shared>> -> memref<128x128xf32, #tpu.memory_space<vmem_shared>>
      tpu.enqueue_dma source(%dma_start3A_92 : memref<128x128xf32, #tpu.memory_space<vmem_shared>>) target(%dma_start3A_90 : memref<128x128xf32, #tpu.memory_space<hbm>>) target_semaphore(%run_scoped3A : memref<!tpu.dma_semaphore, #tpu.memory_space<semaphore_mem>>)
      %dma_wait3A = arith.constant 0 : i32
      %dma_wait3A_93 = tpu.memref_slice %arg5[%add3A_89, %dma_wait3A] : memref<20480x128xf32, #tpu.memory_space<hbm>> -> memref<128x128xf32, #tpu.memory_space<hbm>>
      %dma_wait3A_94 = arith.constant 0 : i32
      %dma_wait3A_95 = tpu.memref_slice %arg10[%add3A_86, %dma_wait3A_94] : memref<10240x128xf32, #tpu.memory_space<vmem_shared>> -> memref<128x128xf32, #tpu.memory_space<vmem_shared>>
      tpu.wait_dma2 semaphore(%run_scoped3A : memref<!tpu.dma_semaphore, #tpu.memory_space<semaphore_mem>>) src(%dma_wait3A_95 : memref<128x128xf32, #tpu.memory_space<vmem_shared>>) dst(%dma_wait3A_93 : memref<128x128xf32, #tpu.memory_space<hbm>>)
      tpu.yield
    }) : () -> ()
    return
  }
}

#map = affine_map<(d0, d1) -> (0)>
#map1 = affine_map<(d0, d1) -> (0, 0, 0)>
#map2 = affine_map<(d0, d1) -> (0, 0)>
module attributes {stable_mosaic.version = 14 : i64} {
  func.func @seg_scalar(%arg0: i32, %arg1: i32, %arg2: memref<10240xf32, #tpu.memory_space<hbm>>, %arg3: memref<32x80x128xi32, #tpu.memory_space<hbm>>, %arg4: memref<32x80x128xi32, #tpu.memory_space<hbm>>, %arg5: memref<32x10240xf32, #tpu.memory_space<hbm>>, %arg6: memref<10240xf32, #tpu.memory_space<vmem>>, %arg7: memref<80x128xi32, #tpu.memory_space<vmem>>, %arg8: memref<80x128xi32, #tpu.memory_space<vmem>>, %arg9: memref<10240xf32, #tpu.memory_space<vmem>>) attributes {dimension_semantics = [#tpu.dimension_semantics<core_parallel>, #tpu.dimension_semantics<subcore_parallel>], iteration_bounds = array<i64: 2, 16>, scalar_prefetch = 0 : i64, scratch_operands = 4 : i64, tpu.core_type = #tpu.core_type<sc_vector_subcore>, window_params = [{transform_indices = #map}, {transform_indices = #map1}, {transform_indices = #map1}, {transform_indices = #map2}]} {
    %mul3A = arith.constant 16 : i32
    %mul3A_0 = arith.muli %arg0, %mul3A : i32
    %add3A = arith.addi %mul3A_0, %arg1 : i32
    "tpu.region"() ({
      %run_scoped3A = tpu.sem_alloc : memref<!tpu.dma_semaphore, #tpu.memory_space<semaphore_mem>>
      tpu.enqueue_dma source(%arg2 : memref<10240xf32, #tpu.memory_space<hbm>>) target(%arg6 : memref<10240xf32, #tpu.memory_space<vmem>>) target_semaphore(%run_scoped3A : memref<!tpu.dma_semaphore, #tpu.memory_space<semaphore_mem>>)
      tpu.wait_dma2 semaphore(%run_scoped3A : memref<!tpu.dma_semaphore, #tpu.memory_space<semaphore_mem>>) src(%arg2 : memref<10240xf32, #tpu.memory_space<hbm>>) dst(%arg6 : memref<10240xf32, #tpu.memory_space<vmem>>)
      tpu.yield
    }) : () -> ()
    "tpu.region"() ({
      %run_scoped3A = tpu.sem_alloc : memref<!tpu.dma_semaphore, #tpu.memory_space<semaphore_mem>>
      %dma_start3A = arith.constant 0 : i32
      %dma_start3A_12 = arith.constant 0 : i32
      %dma_start3A_13 = tpu.memref_slice %arg3[%add3A, %dma_start3A, %dma_start3A_12] : memref<32x80x128xi32, #tpu.memory_space<hbm>> -> memref<1x80x128xi32, #tpu.memory_space<hbm>>
      %dma_start3A_14 = tpu.memref_squeeze %dma_start3A_13 : memref<1x80x128xi32, #tpu.memory_space<hbm>> -> memref<80x128xi32, #tpu.memory_space<hbm>>
      %dma_start3A_15 = arith.constant 0 : i32
      %dma_start3A_16 = arith.constant 0 : i32
      %dma_start3A_17 = tpu.memref_slice %arg3[%add3A, %dma_start3A_15, %dma_start3A_16] : memref<32x80x128xi32, #tpu.memory_space<hbm>> -> memref<1x80x128xi32, #tpu.memory_space<hbm>>
      %dma_start3A_18 = tpu.memref_squeeze %dma_start3A_17 : memref<1x80x128xi32, #tpu.memory_space<hbm>> -> memref<80x128xi32, #tpu.memory_space<hbm>>
      tpu.enqueue_dma source(%dma_start3A_18 : memref<80x128xi32, #tpu.memory_space<hbm>>) target(%arg7 : memref<80x128xi32, #tpu.memory_space<vmem>>) target_semaphore(%run_scoped3A : memref<!tpu.dma_semaphore, #tpu.memory_space<semaphore_mem>>)
      %dma_wait3A = arith.constant 0 : i32
      %dma_wait3A_19 = arith.constant 0 : i32
      %dma_wait3A_20 = tpu.memref_slice %arg3[%add3A, %dma_wait3A, %dma_wait3A_19] : memref<32x80x128xi32, #tpu.memory_space<hbm>> -> memref<1x80x128xi32, #tpu.memory_space<hbm>>
      %dma_wait3A_21 = tpu.memref_squeeze %dma_wait3A_20 : memref<1x80x128xi32, #tpu.memory_space<hbm>> -> memref<80x128xi32, #tpu.memory_space<hbm>>
      %dma_wait3A_22 = arith.constant 0 : i32
      %dma_wait3A_23 = arith.constant 0 : i32
      %dma_wait3A_24 = tpu.memref_slice %arg3[%add3A, %dma_wait3A_22, %dma_wait3A_23] : memref<32x80x128xi32, #tpu.memory_space<hbm>> -> memref<1x80x128xi32, #tpu.memory_space<hbm>>
      %dma_wait3A_25 = tpu.memref_squeeze %dma_wait3A_24 : memref<1x80x128xi32, #tpu.memory_space<hbm>> -> memref<80x128xi32, #tpu.memory_space<hbm>>
      tpu.wait_dma2 semaphore(%run_scoped3A : memref<!tpu.dma_semaphore, #tpu.memory_space<semaphore_mem>>) src(%dma_wait3A_25 : memref<80x128xi32, #tpu.memory_space<hbm>>) dst(%arg7 : memref<80x128xi32, #tpu.memory_space<vmem>>)
      tpu.yield
    }) : () -> ()
    "tpu.region"() ({
      %run_scoped3A = tpu.sem_alloc : memref<!tpu.dma_semaphore, #tpu.memory_space<semaphore_mem>>
      %dma_start3A = arith.constant 0 : i32
      %dma_start3A_12 = arith.constant 0 : i32
      %dma_start3A_13 = tpu.memref_slice %arg4[%add3A, %dma_start3A, %dma_start3A_12] : memref<32x80x128xi32, #tpu.memory_space<hbm>> -> memref<1x80x128xi32, #tpu.memory_space<hbm>>
      %dma_start3A_14 = tpu.memref_squeeze %dma_start3A_13 : memref<1x80x128xi32, #tpu.memory_space<hbm>> -> memref<80x128xi32, #tpu.memory_space<hbm>>
      %dma_start3A_15 = arith.constant 0 : i32
      %dma_start3A_16 = arith.constant 0 : i32
      %dma_start3A_17 = tpu.memref_slice %arg4[%add3A, %dma_start3A_15, %dma_start3A_16] : memref<32x80x128xi32, #tpu.memory_space<hbm>> -> memref<1x80x128xi32, #tpu.memory_space<hbm>>
      %dma_start3A_18 = tpu.memref_squeeze %dma_start3A_17 : memref<1x80x128xi32, #tpu.memory_space<hbm>> -> memref<80x128xi32, #tpu.memory_space<hbm>>
      tpu.enqueue_dma source(%dma_start3A_18 : memref<80x128xi32, #tpu.memory_space<hbm>>) target(%arg8 : memref<80x128xi32, #tpu.memory_space<vmem>>) target_semaphore(%run_scoped3A : memref<!tpu.dma_semaphore, #tpu.memory_space<semaphore_mem>>)
      %dma_wait3A = arith.constant 0 : i32
      %dma_wait3A_19 = arith.constant 0 : i32
      %dma_wait3A_20 = tpu.memref_slice %arg4[%add3A, %dma_wait3A, %dma_wait3A_19] : memref<32x80x128xi32, #tpu.memory_space<hbm>> -> memref<1x80x128xi32, #tpu.memory_space<hbm>>
      %dma_wait3A_21 = tpu.memref_squeeze %dma_wait3A_20 : memref<1x80x128xi32, #tpu.memory_space<hbm>> -> memref<80x128xi32, #tpu.memory_space<hbm>>
      %dma_wait3A_22 = arith.constant 0 : i32
      %dma_wait3A_23 = arith.constant 0 : i32
      %dma_wait3A_24 = tpu.memref_slice %arg4[%add3A, %dma_wait3A_22, %dma_wait3A_23] : memref<32x80x128xi32, #tpu.memory_space<hbm>> -> memref<1x80x128xi32, #tpu.memory_space<hbm>>
      %dma_wait3A_25 = tpu.memref_squeeze %dma_wait3A_24 : memref<1x80x128xi32, #tpu.memory_space<hbm>> -> memref<80x128xi32, #tpu.memory_space<hbm>>
      tpu.wait_dma2 semaphore(%run_scoped3A : memref<!tpu.dma_semaphore, #tpu.memory_space<semaphore_mem>>) src(%dma_wait3A_25 : memref<80x128xi32, #tpu.memory_space<hbm>>) dst(%arg8 : memref<80x128xi32, #tpu.memory_space<vmem>>)
      tpu.yield
    }) : () -> ()
    %scan3A = arith.constant 0 : i32
    %scan3A_1 = arith.constant 0 : i32
    %scan3A_2 = arith.constant 640 : i32
    %scan3A_3 = arith.addi %scan3A_1, %scan3A_2 : i32
    %scan3A_4 = arith.constant 1 : i32
    scf.for %scan3A_12 = %scan3A_1 to %scan3A_3 step %scan3A_4  : i32 {
      %broadcast_in_dim3A = arith.constant 0.000000e+00 : f32
      %broadcast_in_dim3A_13 = vector.broadcast %broadcast_in_dim3A : f32 to vector<16xf32>
      %mul3A_14 = arith.constant 16 : i32
      %mul3A_15 = arith.muli %scan3A_12, %mul3A_14 : i32
      %swap3A = arith.index_cast %mul3A_15 : i32 to index
      %swap3A_16 = tpu.vector_load %arg9[%swap3A] {strides = array<i32>} : memref<10240xf32, #tpu.memory_space<vmem>>, vector<16xf32>,
      tpu.vector_store %arg9[%swap3A], %broadcast_in_dim3A_13 {strides = array<i32>} : memref<10240xf32, #tpu.memory_space<vmem>>, vector<16xf32>,
    }
    %scan3A_5 = arith.constant 640 : i32
    %scan3A_6 = arith.constant 0 : i32
    %scan3A_7 = arith.constant 0 : i32
    %scan3A_8 = arith.constant 640 : i32
    %scan3A_9 = arith.addi %scan3A_7, %scan3A_8 : i32
    %scan3A_10 = arith.constant 1 : i32
    scf.for %scan3A_12 = %scan3A_7 to %scan3A_9 step %scan3A_10  : i32 {
      %jit3A = arith.constant 8 : i32
      %div3A = arith.divsi %scan3A_12, %jit3A : i32
      %sign3A = arith.constant 0 : i32
      %sign3A_13 = arith.cmpi sgt, %scan3A_12, %sign3A : i32
      %sign3A_14 = arith.extui %sign3A_13 : i1 to i32
      %sign3A_15 = arith.constant 0 : i32
      %sign3A_16 = arith.cmpi slt, %scan3A_12, %sign3A_15 : i32
      %sign3A_17 = arith.extui %sign3A_16 : i1 to i32
      %sign3A_18 = arith.subi %sign3A_14, %sign3A_17 : i32
      %sign3A_19 = arith.constant 0 : i32
      %sign3A_20 = arith.cmpi sgt, %jit3A, %sign3A_19 : i32
      %sign3A_21 = arith.extui %sign3A_20 : i1 to i32
      %sign3A_22 = arith.constant 0 : i32
      %sign3A_23 = arith.cmpi slt, %jit3A, %sign3A_22 : i32
      %sign3A_24 = arith.extui %sign3A_23 : i1 to i32
      %sign3A_25 = arith.subi %sign3A_21, %sign3A_24 : i32
      %ne3A = arith.cmpi ne, %sign3A_18, %sign3A_25 : i32
      %rem3A = arith.remsi %scan3A_12, %jit3A : i32
      %ne3A_26 = arith.constant 0 : i32
      %ne3A_27 = arith.cmpi ne, %rem3A, %ne3A_26 : i32
      %and3A = arith.andi %ne3A, %ne3A_27 : i1
      %sub3A = arith.constant 1 : i32
      %sub3A_28 = arith.subi %div3A, %sub3A : i32
      %select_n3A = arith.select %and3A, %sub3A_28, %div3A : i32
      %jit3A_29 = arith.constant 8 : i32
      %eq3A = arith.constant 0 : i32
      %eq3A_30 = arith.cmpi eq, %jit3A_29, %eq3A : i32
      %jit3A_31 = arith.constant 1 : i32
      %select_n3A_32 = arith.select %eq3A_30, %jit3A_31, %jit3A_29 : i32
      %rem3A_33 = arith.remsi %scan3A_12, %select_n3A_32 : i32
      %ne3A_34 = arith.constant 0 : i32
      %ne3A_35 = arith.cmpi ne, %rem3A_33, %ne3A_34 : i32
      %lt3A = arith.constant 0 : i32
      %lt3A_36 = arith.cmpi slt, %rem3A_33, %lt3A : i32
      %lt3A_37 = arith.constant 0 : i32
      %lt3A_38 = arith.cmpi slt, %select_n3A_32, %lt3A_37 : i32
      %ne3A_39 = arith.xori %lt3A_36, %lt3A_38 : i1
      %and3A_40 = arith.andi %ne3A_39, %ne3A_35 : i1
      %add3A_41 = arith.addi %rem3A_33, %select_n3A_32 : i32
      %select_n3A_42 = arith.select %and3A_40, %add3A_41, %rem3A_33 : i32
      %mul3A_43 = arith.constant 16 : i32
      %mul3A_44 = arith.muli %select_n3A_42, %mul3A_43 : i32
      %get3A = arith.index_cast %select_n3A : i32 to index
      %get3A_45 = arith.index_cast %mul3A_44 : i32 to index
      %get3A_46 = tpu.vector_load %arg8[%get3A, %get3A_45] {strides = array<i32>} : memref<80x128xi32, #tpu.memory_space<vmem>>, vector<16xi32>,
      %get3A_47 = arith.index_cast %select_n3A : i32 to index
      %get3A_48 = arith.index_cast %mul3A_44 : i32 to index
      %get3A_49 = tpu.vector_load %arg7[%get3A_47, %get3A_48] {strides = array<i32>} : memref<80x128xi32, #tpu.memory_space<vmem>>, vector<16xi32>,
      %gather3A = tpu.vector_load_idx %arg6[%get3A_46] : memref<10240xf32, #tpu.memory_space<vmem>>[vector<16xi32>], vector<16xf32>,
      tpu.vector_store_idx %arg9[%get3A_49], %gather3A {add = true} : memref<10240xf32, #tpu.memory_space<vmem>>[vector<16xi32>], vector<16xf32>,
    }
    %scan3A_11 = arith.constant 640 : i32
    "tpu.region"() ({
      %run_scoped3A = tpu.sem_alloc : memref<!tpu.dma_semaphore, #tpu.memory_space<semaphore_mem>>
      %dma_start3A = arith.constant 0 : i32
      %dma_start3A_12 = tpu.memref_slice %arg5[%add3A, %dma_start3A] : memref<32x10240xf32, #tpu.memory_space<hbm>> -> memref<1x10240xf32, #tpu.memory_space<hbm>>
      %dma_start3A_13 = tpu.memref_squeeze %dma_start3A_12 : memref<1x10240xf32, #tpu.memory_space<hbm>> -> memref<10240xf32, #tpu.memory_space<hbm>>
      %dma_start3A_14 = arith.constant 0 : i32
      %dma_start3A_15 = tpu.memref_slice %arg5[%add3A, %dma_start3A_14] : memref<32x10240xf32, #tpu.memory_space<hbm>> -> memref<1x10240xf32, #tpu.memory_space<hbm>>
      %dma_start3A_16 = tpu.memref_squeeze %dma_start3A_15 : memref<1x10240xf32, #tpu.memory_space<hbm>> -> memref<10240xf32, #tpu.memory_space<hbm>>
      tpu.enqueue_dma source(%arg9 : memref<10240xf32, #tpu.memory_space<vmem>>) target(%dma_start3A_16 : memref<10240xf32, #tpu.memory_space<hbm>>) target_semaphore(%run_scoped3A : memref<!tpu.dma_semaphore, #tpu.memory_space<semaphore_mem>>)
      %dma_wait3A = arith.constant 0 : i32
      %dma_wait3A_17 = tpu.memref_slice %arg5[%add3A, %dma_wait3A] : memref<32x10240xf32, #tpu.memory_space<hbm>> -> memref<1x10240xf32, #tpu.memory_space<hbm>>
      %dma_wait3A_18 = tpu.memref_squeeze %dma_wait3A_17 : memref<1x10240xf32, #tpu.memory_space<hbm>> -> memref<10240xf32, #tpu.memory_space<hbm>>
      %dma_wait3A_19 = arith.constant 0 : i32
      %dma_wait3A_20 = tpu.memref_slice %arg5[%add3A, %dma_wait3A_19] : memref<32x10240xf32, #tpu.memory_space<hbm>> -> memref<1x10240xf32, #tpu.memory_space<hbm>>
      %dma_wait3A_21 = tpu.memref_squeeze %dma_wait3A_20 : memref<1x10240xf32, #tpu.memory_space<hbm>> -> memref<10240xf32, #tpu.memory_space<hbm>>
      tpu.wait_dma2 semaphore(%run_scoped3A : memref<!tpu.dma_semaphore, #tpu.memory_space<semaphore_mem>>) src(%arg9 : memref<10240xf32, #tpu.memory_space<vmem>>) dst(%dma_wait3A_21 : memref<10240xf32, #tpu.memory_space<hbm>>)
      tpu.yield
    }) : () -> ()
    return
  }
}

module attributes {stable_mosaic.version = 14 : i64} {
  func.func @_mid_body(%arg0: i32, %arg1: memref<2x1024x128xf32, #tpu.memory_space<vmem>>, %arg2: memref<128x128xf32, #tpu.memory_space<vmem>>, %arg3: memref<128x1xf32, #tpu.memory_space<vmem>>, %arg4: memref<1x1xf32, #tpu.memory_space<vmem>>, %arg5: memref<1024x128xf32, #tpu.memory_space<vmem>>, %arg6: memref<1024x1xf32, #tpu.memory_space<vmem>>) attributes {dimension_semantics = [#tpu.dimension_semantics<arbitrary>], iteration_bounds = array<i64: 10>, scalar_prefetch = 0 : i64, scratch_operands = 0 : i64, tpu.core_type = #tpu.core_type<tc>, window_params = [{transform_indices = @transform_0, window_bounds = array<i64: 2, 1024, 128>}, {pipeline_mode = #tpu.pipeline_mode<synchronous>, transform_indices = @transform_1, window_bounds = array<i64: 128, 128>}, {pipeline_mode = #tpu.pipeline_mode<synchronous>, transform_indices = @transform_2, window_bounds = array<i64: 128, 1>}, {pipeline_mode = #tpu.pipeline_mode<synchronous>, transform_indices = @transform_3, window_bounds = array<i64: 1, 1>}, {transform_indices = @transform_4, window_bounds = array<i64: 1024, 128>}, {transform_indices = @transform_5, window_bounds = array<i64: 1024, 1>}]} {
    %get3A = arith.constant 0 : index
    %get3A_0 = arith.constant 0 : index
    %get3A_1 = arith.constant 0 : index
    %get3A_2 = vector.load %arg1[%get3A, %get3A_0, %get3A_1] : memref<2x1024x128xf32, #tpu.memory_space<vmem>>, vector<1x1024x128xf32>
    %get3A_3 = vector.shape_cast %get3A_2 : vector<1x1024x128xf32> to vector<1024x128xf32>
    %get3A_4 = arith.constant 1 : index
    %get3A_5 = arith.constant 0 : index
    %get3A_6 = arith.constant 0 : index
    %get3A_7 = vector.load %arg1[%get3A_4, %get3A_5, %get3A_6] : memref<2x1024x128xf32, #tpu.memory_space<vmem>>, vector<1x1024x128xf32>
    %get3A_8 = vector.shape_cast %get3A_7 : vector<1x1024x128xf32> to vector<1024x128xf32>
    %add3A = arith.addf %get3A_3, %get3A_8 : vector<1024x128xf32>
    %get3A_9 = arith.constant 0 : index
    %get3A_10 = arith.constant 0 : index
    %get3A_11 = vector.load %arg2[%get3A_9, %get3A_10] : memref<128x128xf32, #tpu.memory_space<vmem>>, vector<128x128xf32>
    %dot_general3A = arith.constant dense<0.000000e+00> : vector<1024x128xf32>
    %dot_general3A_12 = tpu.matmul %add3A, %get3A_11, %dot_general3A {dimension_numbers = #tpu.dot_dimension_numbers<[1], [0], [0], [1], [0, 0, 1, 1], [], []>, precision = #tpu.contract_precision<fp32>, transpose_lhs_hint = false} : vector<1024x128xf32>, vector<128x128xf32>, vector<1024x128xf32> -> vector<1024x128xf32>
    %max3A = arith.constant 0.000000e+00 : f32
    %max3A_13 = vector.broadcast %max3A : f32 to vector<1024x128xf32>
    %max3A_14 = arith.maximumf %dot_general3A_12, %max3A_13 : vector<1024x128xf32>
    %swap3A = arith.constant 0 : index
    %swap3A_15 = arith.constant 0 : index
    %swap3A_16 = vector.load %arg5[%swap3A, %swap3A_15] : memref<1024x128xf32, #tpu.memory_space<vmem>>, vector<1024x128xf32>
    tpu.vector_store %arg5[%swap3A, %swap3A_15], %max3A_14 {strides = array<i32>} : memref<1024x128xf32, #tpu.memory_space<vmem>>, vector<1024x128xf32>,
    %get3A_17 = arith.constant 0 : index
    %get3A_18 = arith.constant 0 : index
    %get3A_19 = vector.load %arg3[%get3A_17, %get3A_18] : memref<128x1xf32, #tpu.memory_space<vmem>>, vector<128x1xf32>
    %dot_general3A_20 = arith.constant dense<0.000000e+00> : vector<1024x1xf32>
    %dot_general3A_21 = tpu.matmul %max3A_14, %get3A_19, %dot_general3A_20 {dimension_numbers = #tpu.dot_dimension_numbers<[1], [0], [0], [1], [0, 0, 1, 1], [], []>, precision = #tpu.contract_precision<fp32>, transpose_lhs_hint = false} : vector<1024x128xf32>, vector<128x1xf32>, vector<1024x1xf32> -> vector<1024x1xf32>
    %get3A_22 = arith.constant 0 : index
    %get3A_23 = arith.constant 0 : index
    %get3A_24 = vector.load %arg4[%get3A_22, %get3A_23] : memref<1x1xf32, #tpu.memory_space<vmem>>, vector<1x1xf32>
    %get3A_25 = vector.extract %get3A_24[0, 0] : f32 from vector<1x1xf32>
    %add3A_26 = vector.broadcast %get3A_25 : f32 to vector<1024x1xf32>
    %add3A_27 = arith.addf %dot_general3A_21, %add3A_26 : vector<1024x1xf32>
    %logistic3A = arith.negf %add3A_27 : vector<1024x1xf32>
    %logistic3A_28 = math.exp %logistic3A : vector<1024x1xf32>
    %logistic3A_29 = arith.constant 1.000000e+00 : f32
    %logistic3A_30 = vector.broadcast %logistic3A_29 : f32 to vector<1024x1xf32>
    %logistic3A_31 = arith.addf %logistic3A_30, %logistic3A_28 : vector<1024x1xf32>
    %logistic3A_32 = arith.divf %logistic3A_30, %logistic3A_31 : vector<1024x1xf32>
    %swap3A_33 = arith.constant 0 : index
    %swap3A_34 = arith.constant 0 : index
    %swap3A_35 = vector.load %arg6[%swap3A_33, %swap3A_34] : memref<1024x1xf32, #tpu.memory_space<vmem>>, vector<1024x1xf32>
    tpu.vector_store %arg6[%swap3A_33, %swap3A_34], %logistic3A_32 {strides = array<i32>} : memref<1024x1xf32, #tpu.memory_space<vmem>>, vector<1024x1xf32>,
    return
  }
  func.func @transform_0(%arg0: i32) -> (i32, i32, i32) {
    %c0_i32 = arith.constant 0 : i32
    %c0_i32_0 = arith.constant 0 : i32
    %c0_i32_1 = arith.constant 0 : i32
    return %c0_i32, %arg0, %c0_i32_0 : i32, i32, i32
  }
  func.func @transform_1(%arg0: i32) -> (i32, i32) {
    %c0_i32 = arith.constant 0 : i32
    %c0_i32_0 = arith.constant 0 : i32
    %c0_i32_1 = arith.constant 0 : i32
    return %c0_i32, %c0_i32_0 : i32, i32
  }
  func.func @transform_2(%arg0: i32) -> (i32, i32) {
    %c0_i32 = arith.constant 0 : i32
    %c0_i32_0 = arith.constant 0 : i32
    %c0_i32_1 = arith.constant 0 : i32
    return %c0_i32, %c0_i32_0 : i32, i32
  }
  func.func @transform_3(%arg0: i32) -> (i32, i32) {
    %c0_i32 = arith.constant 0 : i32
    %c0_i32_0 = arith.constant 0 : i32
    %c0_i32_1 = arith.constant 0 : i32
    return %c0_i32, %c0_i32_0 : i32, i32
  }
  func.func @transform_4(%arg0: i32) -> (i32, i32) {
    %c0_i32 = arith.constant 0 : i32
    %c0_i32_0 = arith.constant 0 : i32
    return %arg0, %c0_i32 : i32, i32
  }
  func.func @transform_5(%arg0: i32) -> (i32, i32) {
    %c0_i32 = arith.constant 0 : i32
    %c0_i32_0 = arith.constant 0 : i32
    return %arg0, %c0_i32 : i32, i32
  }
}

module attributes {stable_mosaic.version = 14 : i64} {
  func.func @fin_body(%arg0: i32, %arg1: memref<1024x128xf32, #tpu.memory_space<vmem>>, %arg2: memref<1024x1xf32, #tpu.memory_space<vmem>>, %arg3: memref<32x1024xf32, #tpu.memory_space<vmem>>, %arg4: memref<128x128xf32, #tpu.memory_space<vmem>>, %arg5: memref<128x10xf32, #tpu.memory_space<vmem>>, %arg6: memref<1x10xf32, #tpu.memory_space<vmem>>, %arg7: memref<1x10xf32, #tpu.memory_space<vmem>>, %arg8: memref<8x128xf32, #tpu.memory_space<vmem>>) attributes {dimension_semantics = [#tpu.dimension_semantics<arbitrary>], iteration_bounds = array<i64: 10>, scalar_prefetch = 0 : i64, scratch_operands = 1 : i64, tpu.core_type = #tpu.core_type<tc>, window_params = [{transform_indices = @transform_0, window_bounds = array<i64: 1024, 128>}, {transform_indices = @transform_1, window_bounds = array<i64: 1024, 1>}, {transform_indices = @transform_2, window_bounds = array<i64: 32, 1024>}, {pipeline_mode = #tpu.pipeline_mode<synchronous>, transform_indices = @transform_3, window_bounds = array<i64: 128, 128>}, {pipeline_mode = #tpu.pipeline_mode<synchronous>, transform_indices = @transform_4, window_bounds = array<i64: 128, 10>}, {pipeline_mode = #tpu.pipeline_mode<synchronous>, transform_indices = @transform_5, window_bounds = array<i64: 1, 10>}, {pipeline_mode = #tpu.pipeline_mode<synchronous>, transform_indices = @transform_6, window_bounds = array<i64: 1, 10>}]} {
    %eq3A = arith.constant 0 : i32
    %eq3A_0 = arith.cmpi eq, %arg0, %eq3A : i32
    %convert_element_type3A = arith.extui %eq3A_0 : i1 to i32
    %cond3A = arith.constant 0 : i32
    %cond3A_1 = arith.cmpi ne, %convert_element_type3A, %cond3A : i32
    scf.if %cond3A_1 {
      %broadcast_in_dim3A_31 = arith.constant 0.000000e+00 : f32
      %broadcast_in_dim3A_32 = vector.broadcast %broadcast_in_dim3A_31 : f32 to vector<8x128xf32>
      %swap3A_33 = arith.constant 0 : index
      %swap3A_34 = arith.constant 0 : index
      %swap3A_35 = vector.load %arg8[%swap3A_33, %swap3A_34] : memref<8x128xf32, #tpu.memory_space<vmem>>, vector<8x128xf32>
      tpu.vector_store %arg8[%swap3A_33, %swap3A_34], %broadcast_in_dim3A_32 {strides = array<i32>} : memref<8x128xf32, #tpu.memory_space<vmem>>, vector<8x128xf32>,
    } else {
    }
    %get3A = arith.constant 0 : index
    %get3A_2 = arith.constant 0 : index
    %get3A_3 = vector.load %arg3[%get3A, %get3A_2] : memref<32x1024xf32, #tpu.memory_space<vmem>>, vector<32x1024xf32>
    %reduce_sum3A = arith.constant dense<0.000000e+00> : vector<1024xf32>
    %reduce_sum3A_4 = vector.multi_reduction <add>, %get3A_3, %reduce_sum3A [0] : vector<32x1024xf32> to vector<1024xf32>
    %get3A_5 = arith.constant 0 : index
    %get3A_6 = arith.constant 0 : index
    %get3A_7 = vector.load %arg2[%get3A_5, %get3A_6] : memref<1024x1xf32, #tpu.memory_space<vmem>>, vector<1024x1xf32>
    %get3A_8 = vector.shape_cast %get3A_7 : vector<1024x1xf32> to vector<1024xf32>
    %mul3A = arith.mulf %get3A_8, %reduce_sum3A_4 : vector<1024xf32>
    %mul3A_9 = arith.constant 1024 : i32
    %mul3A_10 = arith.muli %arg0, %mul3A_9 : i32
    %iota3A = tpu.iota {dimensions = array<i32: 1>} : vector<1x1024xi32>
    %iota3A_11 = vector.shape_cast %iota3A : vector<1x1024xi32> to vector<1024xi32>
    %add3A = vector.broadcast %mul3A_10 : i32 to vector<1024xi32>
    %add3A_12 = arith.addi %add3A, %iota3A_11 : vector<1024xi32>
    %lt3A = arith.constant 10000 : i32
    %lt3A_13 = vector.broadcast %lt3A : i32 to vector<1024xi32>
    %lt3A_14 = arith.cmpi slt, %add3A_12, %lt3A_13 : vector<1024xi32>
    %jit3A = arith.constant 0.000000e+00 : f32
    %broadcast_in_dim3A = vector.broadcast %jit3A : f32 to vector<1024xf32>
    %select_n3A = arith.select %lt3A_14, %mul3A, %broadcast_in_dim3A : vector<1024xi1>, vector<1024xf32>
    %broadcast_in_dim3A_15 = vector.shape_cast %select_n3A : vector<1024xf32> to vector<1x1024xf32>
    %get3A_16 = arith.constant 0 : index
    %get3A_17 = arith.constant 0 : index
    %get3A_18 = vector.load %arg1[%get3A_16, %get3A_17] : memref<1024x128xf32, #tpu.memory_space<vmem>>, vector<1024x128xf32>
    %dot_general3A = arith.constant dense<0.000000e+00> : vector<1x128xf32>
    %dot_general3A_19 = tpu.matmul %broadcast_in_dim3A_15, %get3A_18, %dot_general3A {dimension_numbers = #tpu.dot_dimension_numbers<[1], [0], [0], [1], [0, 0, 1, 1], [], []>, precision = #tpu.contract_precision<fp32>, transpose_lhs_hint = false} : vector<1x1024xf32>, vector<1024x128xf32>, vector<1x128xf32> -> vector<1x128xf32>
    %get3A_20 = arith.constant 0 : index
    %get3A_21 = arith.constant 0 : index
    %get3A_22 = vector.load %arg8[%get3A_20, %get3A_21] : memref<8x128xf32, #tpu.memory_space<vmem>>, vector<1x128xf32>
    %add3A_23 = arith.addf %get3A_22, %dot_general3A_19 : vector<1x128xf32>
    %swap3A = arith.constant 0 : index
    %swap3A_24 = arith.constant 0 : index
    %swap3A_25 = vector.load %arg8[%swap3A, %swap3A_24] : memref<8x128xf32, #tpu.memory_space<vmem>>, vector<1x128xf32>
    tpu.vector_store %arg8[%swap3A, %swap3A_24], %add3A_23 {strides = array<i32>} : memref<8x128xf32, #tpu.memory_space<vmem>>, vector<1x128xf32>,
    %eq3A_26 = arith.constant 9 : i32
    %eq3A_27 = arith.cmpi eq, %arg0, %eq3A_26 : i32
    %convert_element_type3A_28 = arith.extui %eq3A_27 : i1 to i32
    %cond3A_29 = arith.constant 0 : i32
    %cond3A_30 = arith.cmpi ne, %convert_element_type3A_28, %cond3A_29 : i32
    scf.if %cond3A_30 {
      %get3A_31 = arith.constant 0 : index
      %get3A_32 = arith.constant 0 : index
      %get3A_33 = vector.load %arg8[%get3A_31, %get3A_32] : memref<8x128xf32, #tpu.memory_space<vmem>>, vector<1x128xf32>
      %div3A = arith.constant 1.000000e+04 : f32
      %div3A_34 = vector.broadcast %div3A : f32 to vector<1x128xf32>
      %div3A_35 = arith.divf %get3A_33, %div3A_34 : vector<1x128xf32>
      %get3A_36 = arith.constant 0 : index
      %get3A_37 = arith.constant 0 : index
      %get3A_38 = vector.load %arg4[%get3A_36, %get3A_37] : memref<128x128xf32, #tpu.memory_space<vmem>>, vector<128x128xf32>
      %dot_general3A_39 = arith.constant dense<0.000000e+00> : vector<1x128xf32>
      %dot_general3A_40 = tpu.matmul %div3A_35, %get3A_38, %dot_general3A_39 {dimension_numbers = #tpu.dot_dimension_numbers<[1], [0], [0], [1], [0, 0, 1, 1], [], []>, precision = #tpu.contract_precision<fp32>, transpose_lhs_hint = false} : vector<1x128xf32>, vector<128x128xf32>, vector<1x128xf32> -> vector<1x128xf32>
      %get3A_41 = arith.constant 0 : index
      %get3A_42 = arith.constant 0 : index
      %get3A_43 = vector.load %arg5[%get3A_41, %get3A_42] : memref<128x10xf32, #tpu.memory_space<vmem>>, vector<128x10xf32>
      %dot_general3A_44 = arith.constant dense<0.000000e+00> : vector<1x10xf32>
      %dot_general3A_45 = tpu.matmul %dot_general3A_40, %get3A_43, %dot_general3A_44 {dimension_numbers = #tpu.dot_dimension_numbers<[1], [0], [0], [1], [0, 0, 1, 1], [], []>, precision = #tpu.contract_precision<fp32>, transpose_lhs_hint = false} : vector<1x128xf32>, vector<128x10xf32>, vector<1x10xf32> -> vector<1x10xf32>
      %get3A_46 = arith.constant 0 : index
      %get3A_47 = arith.constant 0 : index
      %get3A_48 = vector.load %arg6[%get3A_46, %get3A_47] : memref<1x10xf32, #tpu.memory_space<vmem>>, vector<1x10xf32>
      %add3A_49 = arith.addf %dot_general3A_45, %get3A_48 : vector<1x10xf32>
      %swap3A_50 = arith.constant 0 : index
      %swap3A_51 = arith.constant 0 : index
      %swap3A_52 = vector.load %arg7[%swap3A_50, %swap3A_51] : memref<1x10xf32, #tpu.memory_space<vmem>>, vector<1x10xf32>
      tpu.vector_store %arg7[%swap3A_50, %swap3A_51], %add3A_49 {strides = array<i32>} : memref<1x10xf32, #tpu.memory_space<vmem>>, vector<1x10xf32>,
    } else {
    }
    return
  }
  func.func @transform_0(%arg0: i32) -> (i32, i32) {
    %c0_i32 = arith.constant 0 : i32
    %c0_i32_0 = arith.constant 0 : i32
    return %arg0, %c0_i32 : i32, i32
  }
  func.func @transform_1(%arg0: i32) -> (i32, i32) {
    %c0_i32 = arith.constant 0 : i32
    %c0_i32_0 = arith.constant 0 : i32
    return %arg0, %c0_i32 : i32, i32
  }
  func.func @transform_2(%arg0: i32) -> (i32, i32) {
    %c0_i32 = arith.constant 0 : i32
    %c0_i32_0 = arith.constant 0 : i32
    return %c0_i32, %arg0 : i32, i32
  }
  func.func @transform_3(%arg0: i32) -> (i32, i32) {
    %c0_i32 = arith.constant 0 : i32
    %c0_i32_0 = arith.constant 0 : i32
    %c0_i32_1 = arith.constant 0 : i32
    return %c0_i32, %c0_i32_0 : i32, i32
  }
  func.func @transform_4(%arg0: i32) -> (i32, i32) {
    %c0_i32 = arith.constant 0 : i32
    %c0_i32_0 = arith.constant 0 : i32
    %c0_i32_1 = arith.constant 0 : i32
    return %c0_i32, %c0_i32_0 : i32, i32
  }
  func.func @transform_5(%arg0: i32) -> (i32, i32) {
    %c0_i32 = arith.constant 0 : i32
    %c0_i32_0 = arith.constant 0 : i32
    %c0_i32_1 = arith.constant 0 : i32
    return %c0_i32, %c0_i32_0 : i32, i32
  }
  func.func @transform_6(%arg0: i32) -> (i32, i32) {
    %c0_i32 = arith.constant 0 : i32
    %c0_i32_0 = arith.constant 0 : i32
    %c0_i32_1 = arith.constant 0 : i32
    return %c0_i32, %c0_i32_0 : i32, i32
  }
}

</mosaic_0001>

<sc_bundles>
// kernel: kernel.6.cloned.1.call-start
scs
__scs_entry_jumppad:
0x0: {  	(pc) =	sbr.rel $0x88, $3  }
0x1: {  	(tag) =	ssettag $0x0;
	lr =	simm.s32 $0x1  }
0x2: {  	[smem:$0x3F99] =	sst lr;
	_ =	strace $0xD0000000  }
0x3: {  	_ = 	snop  }
0x4: {  	_ = 	snop  }
0x5: {  	_ = 	snop  }
0x6: {  	_ = 	snop  }
0x7: {  	_ = 	snop  }
__scs_overlays_trampoline_lowered:
0x8: {  	[smem:$0x3FA8] =	sst s0  }
0x9: {  	[smem:$0x3FA9] =	sst s1  }
0xa: {  	[smem:$0x3FAA] =	sst s2  }
0xb: {  	[smem:$0x3FAB] =	sst s3  }
0xc: {  	[smem:$0x3FAC] =	sst s4  }
0xd: {  	[smem:$0x3FAD] =	sst s5  }
0xe: {  	[smem:$0x3FAE] =	sst s6  }
0xf: {  	[smem:$0x3FAF] =	sst s7  }
0x10: {  	[smem:$0x3FB0] =	sst s8  }
0x11: {  	[smem:$0x3FB1] =	sst s9;
	s0 =	simm.s32 @!p0 $0x0  }
0x12: {  	s1 =	sld [smem:$0x3F97];
	s0 =	simm.s32 @p0 $0x1  }
0x13: {  	[smem:$0x3FB2] =	sst s0;
	s0 =	simm.s32 @!p1 $0x0  }
0x14: {  	s2 =	sld [smem:$0x3F96];
	s0 =	simm.s32 @p1 $0x1  }
0x15: {  	[smem:$0x3FB3] =	sst s0;
	s0 =	simm.s32 @!p2 $0x0  }
0x16: {  	s3 =	sld [smem:$0x3FDB];
	s0 =	simm.s32 @p2 $0x1  }
0x17: {  	s4 =	simm.s32 $0x1BF5;
	[smem:$0x3FB5] =	sst s0  }
0x18: {  	s0 =	sld [smem:$0x3F98];
	_ =	swait.ge [sflag:s4], $0x0  }
0x19: {  	s7 =	sld [smem:$0x3F99]  }
0x1a: {  	s8 =	sadd.s32 $0xFFFFE003, lr  }
0x1b: {  	s9 =	sadd.s32 $0xFFFFFEF7, lr;
	s5 =	simm.s32 $0xFFFFFFFF;
	p2 =	slt.u32 s8, $0xFFFFF086  }
0x1c: {  	p1 =	slt.u32 s9, $0xF7A;
	s5 =	simm.s32 @!p2 $0x0  }
0x1d: {  	s5 =	simm.s32 @p1 $0x1;
	p0 =	seq.s32 s7, s2  }
0x1e: {  	s7 =	smul.u32 @!p0 $0xF7A, s2;
	p2 =	seq.s32 @!p0 s5, $0x0  }
0x1f: {  	s9 =	smul.u32 $0xF7A, s1;
	s8 =	simm.s32 @!p0 $0x1BF5;
	p2 =	por !p2, p0  }
0x20: {  	[sflag:s8] =	ssyncset.s32 @!p0 $0xFFFFF086;
	s6 =	sadd.s32 @!p0 s3, s7;
	s7 =	simm.s32 @!p0 $0x108  }
0x21: {  	s3 =	sadd.s32 s3, s9;
	s6 =	sadd.s32 @!p0 $0x88, s6;
	s7 =	simm.s32 @p2 $0x1082  }
0x22: {  	[simem:s7], [sflag:s8] =	dma.local @!p0 [hbm:s6], $0xF7A  }
0x23: {  	s9 =	sor.u32 $0xD0000000, s2;
	s6 =	simm.s32 $0x108;
	_ =	swait.ge @!p0 [sflag:s8], $0x0  }
0x24: {  	s3 =	sadd.s32 $0x88, s3;
	s6 =	simm.s32 @!p1 $0x1082;
	[sflag:s4] =	ssyncset.s32 $0xFFFFF086  }
0x25: {  	[simem:s6], [sflag:s4] =	dma.local [hbm:s3], $0xF7A  }
0x26: {  	[smem:$0x3F99] =	sst s1;
	(tag) =	ssettag s2;
	_ =	strace s9  }
0x27: {  	s1 =	sld [smem:$0x3FA9]  }
0x28: {  	s2 =	sld [smem:$0x3FAA]  }
0x29: {  	s4 =	sld [smem:$0x3FAC]  }
0x2a: {  	p0 =	seq.s32 s5, $0x0;
	s5 =	sld [smem:$0x3FAD]  }
0x2b: {  	s6 =	sld [smem:$0x3FAE]  }
0x2c: {  	s7 =	sld [smem:$0x3FAF]  }
0x2d: {  	s3 =	simm.s32 $0x108;
	s8 =	sld [smem:$0x3FB0]  }
0x2e: {  	s3 =	simm.s32 @!p0 $0x1082;
	s9 =	sld [smem:$0x3FB1]  }
0x2f: {  	lr =	sadd.s32 s0, s3;
	s0 =	sld [smem:$0x3FA8]  }
0x30: {  	s3 =	sld [smem:$0x3FAB]  }
0x31: {  	[smem:$0x3FB4] =	sst s10  }
0x32: {  	s10 =	sld [smem:$0x3FB2];
	_ =	sdelay $0x3  }
0x33: {  	p0 =	seq.s32 s10, $0x1;
	s10 =	sld [smem:$0x3FB4];
	_ =	sdelay $0x3  }
0x34: {  	[smem:$0x3FB4] =	sst s10  }
0x35: {  	s10 =	sld [smem:$0x3FB3];
	_ =	sdelay $0x3  }
0x36: {  	p1 =	seq.s32 s10, $0x1;
	s10 =	sld [smem:$0x3FB4];
	_ =	sdelay $0x3  }
0x37: {  	[smem:$0x3FB4] =	sst s10  }
0x38: {  	s10 =	sld [smem:$0x3FB5]  }
0x39: {  	_ = 	snop;
	(pc) =	sbr.ind lr, $3  }
0x3a: {  	_ = 	snop  }
0x3b: {  	_ = 	snop  }
0x3c: {  	p2 =	seq.s32 s10, $0x1;
	s10 =	sld [smem:$0x3FB4]  }
0x3d: {  	_ =	shalt  }
0x3e: {  	_ =	shalt  }
0x3f: {  	_ =	shalt  }
0x40: {  	_ =	shalt  }
0x41: {  	_ =	shalt  }
0x42: {  	_ =	shalt  }
0x43: {  	_ =	shalt  }
0x44: {  	_ =	shalt  }
0x45: {  	_ =	shalt  }
0x46: {  	_ =	shalt  }
0x47: {  	_ =	shalt  }
0x48: {  	_ =	shalt  }
0x49: {  	_ =	shalt  }
0x4a: {  	_ =	shalt  }
0x4b: {  	_ =	shalt  }
0x4c: {  	_ =	shalt  }
0x4d: {  	_ =	shalt  }
0x4e: {  	_ =	shalt  }
0x4f: {  	_ =	shalt  }
0x50: {  	_ =	shalt  }
0x51: {  	_ =	shalt  }
0x52: {  	_ =	shalt  }
0x53: {  	_ =	shalt  }
0x54: {  	_ =	shalt  }
0x55: {  	_ =	shalt  }
0x56: {  	_ =	shalt  }
0x57: {  	_ =	shalt  }
0x58: {  	_ =	shalt  }
0x59: {  	_ =	shalt  }
0x5a: {  	_ =	shalt  }
0x5b: {  	_ =	shalt  }
0x5c: {  	_ =	shalt  }
0x5d: {  	_ =	shalt  }
0x5e: {  	_ =	shalt  }
0x5f: {  	_ =	shalt  }
0x60: {  	_ =	shalt  }
0x61: {  	_ =	shalt  }
0x62: {  	_ =	shalt  }
0x63: {  	_ =	shalt  }
0x64: {  	_ =	shalt  }
0x65: {  	_ =	shalt  }
0x66: {  	_ =	shalt  }
0x67: {  	_ =	shalt  }
0x68: {  	_ =	shalt  }
0x69: {  	_ =	shalt  }
0x6a: {  	_ =	shalt  }
0x6b: {  	_ =	shalt  }
0x6c: {  	_ =	shalt  }
0x6d: {  	_ =	shalt  }
0x6e: {  	_ =	shalt  }
0x6f: {  	_ =	shalt  }
0x70: {  	_ =	shalt  }
0x71: {  	_ =	shalt  }
0x72: {  	_ =	shalt  }
0x73: {  	_ =	shalt  }
0x74: {  	_ =	shalt  }
0x75: {  	_ =	shalt  }
0x76: {  	_ =	shalt  }
0x77: {  	_ =	shalt  }
0x78: {  	_ =	shalt  }
0x79: {  	_ =	shalt  }
0x7a: {  	_ =	shalt  }
0x7b: {  	_ =	shalt  }
0x7c: {  	_ =	shalt  }
0x7d: {  	_ =	shalt  }
0x7e: {  	_ =	shalt  }
0x7f: {  	_ =	shalt  }
0x80: {  	_ =	shalt  }
0x81: {  	_ =	shalt  }
0x82: {  	_ =	shalt  }
0x83: {  	_ =	shalt  }
0x84: {  	_ =	shalt  }
0x85: {  	_ =	shalt  }
0x86: {  	_ =	shalt  }
0x87: {  	_ =	shalt  }
.Lfunc_end0:
.L_simem_size_0:
called_computation_lowered:
.L_overlay_start_0:
0x88: {  	s2 =	sld [smem:$0x3FD9]  }
0x89: {  	s3 =	sld [smem:$0x3FFE];
	_ =	sdelay $0x1  }
0x8a: {  	s1 =	srdreg.scid  }
0x8b: {  	s0 =	sand.u32 $0x1, s1  }
0x8c: {  	s17 =	sshll.u32 s0, $0xA;
	s2 =	sadd.s32 s3, s2  }
0x8d: {  	s2 =	sadd.s32 s2, s17  }
0x8e: {  	[smem:$0x3FC0] =	sst s2  }
0x8f: {  	_ = 	snop  }
0x90: {  	s2 =	sld [smem:$0x3FC9];
	(tm) =	ssettm $0x1  }
0x91: {  	s18 =	sld [smem:$0x3FFB];
	_ =	sdelay $0x3  }
0x92: {  	_ =	strace s18  }
0x93: {  	s3 =	sld [smem:$0x3FFC];
	_ =	sdelay $0x3  }
0x94: {  	_ =	strace s3  }
0x95: {  	s3 =	sld [smem:$0x3FFD];
	_ =	sdelay $0x3  }
0x96: {  	_ =	strace s3  }
0x97: {  	_ =	strace $0x8FFFFFFF  }
0x98: {  	s19 =	sld [smem:$0x3FDB];
	_ =	sdelay $0x1  }
0x99: {  	s4 =	simm.s32 $_scs_section_size  }
0x9a: {  	s5 =	simm.s32 $_size__tile_overlayer_lowered;
	s6 =	simm.s32 $_tile_overlayer_lowered  }
0x9b: {  	s22 =	simm.s32 $0x1BFF;
	s21 =	sshll.u32 s6, $0x1;
	s3 =	sadd.s32 s4, s19  }
0x9c: {  	s7 =	simm.s32 $0x0;
	s20 =	sshll.u32 s5, $0x1;
	s5 =	sadd.s32 s21, s3  }
0x9d: {  	[timem:s7], [sflag:s22] =	dma.local [hbm:s5], s20  }
0x9e: {  	_ =	swait.ge [sflag:s22], s20  }
0x9f: {  	s4 =	ssub.s32 $0x0, s20;
	[sflag:s22] =	ssyncset.done $0x0  }
0xa0: {  	[sflag:s22] =	ssyncadd.s32 s4;
	_ =	sdelay $0x1  }
0xa1: {  	s23 =	simm.s32 $0x1B8B  }
0xa2: {  	_ =	swait.ge [sflag:s23], $0x1  }
0xa3: {  	[sflag:s23] =	ssyncset.done $0x0  }
0xa4: {  	s25 =	simm.s32 $0x1B8E;
	s24 =	sld [smem:$0x3FFE];
	[sflag:s23] =	ssyncadd.s32 $0xFFFFFFFF  }
0xa5: {  	s26 =	simm.s32 $execute0_lowered;
	[smem:$0x3FD2] =	sst s25  }
0xa6: {  	s5 =	sshll.u32 s26, $0x1;
	_ =	strace $0x80000046;
	[dreg:$0x1] =	wrdreg $0xFFFFFFFF  }
0xa7: {  	s28 =	simm.s32 $_size_execute0_lowered;
	s3 =	sadd.s32 s3, s5;
	[dreg:$0x0] =	wrdreg $0x0  }
0xa8: {  	s5 =	sshll.u32 s28, $0x1;
	[dreg:$0x2] =	wrdreg s3  }
0xa9: {  	[dreg:$0x3] =	wrdreg s5  }
0xaa: {  	[dreg:$0x4] =	wrdreg $0xC0  }
0xab: {  	_ =	task [dreg:s7], $0x5FFFF  }
0xac: {  	[dreg:$0x1] =	wrdreg $0xFFFFFFFF  }
0xad: {  	[dreg:$0x0] =	wrdreg $0x60  }
0xae: {  	[dreg:$0x2] =	wrdreg s2  }
0xaf: {  	[dreg:$0x3] =	wrdreg s24  }
0xb0: {  	[dreg:$0x4] =	wrdreg $0xA8000  }
0xb1: {  	[dreg:$0x5] =	wrdreg $0x9  }
0xb2: {  	_ =	task.clear_ibuf [dreg:s7], $0x6FFFF;
	_ =	strace $0x90000046  }
0xb3: {  	s29 =	simm.s32 $0x9;
	_ =	strace $0x80000048  }
0xb4: {  	_ =	swait.ge [sflag:s29], $0x1  }
0xb5: {  	[sflag:s29] =	ssyncadd.s32 $0xFFFFFFFF  }
0xb6: {  	_ =	strace $0x90000048  }
0xb7: {  	_ =	sfence  }
0xb8: {  	s30 =	sld [smem:$0x0];
	_ =	sdelay $0x2  }
0xb9: {  	s31 =	sshll.u32 s1, $0xD;
	s1 =	sshrl.u32 s1, $0x2  }
0xba: {  	s3 =	sand.u32 $0x4000, s31;
	s1 =	sadd.s32 s1, s30  }
0xbb: {  	s0 =	sor.u32 s3, s0;
	s1 =	sshll.u32 s1, $0x11  }
0xbc: {  	s0 =	sor.u32 s1, s0  }
0xbd: {  	s0 =	sadd.s32 $0x8F2B, s0  }
0xbe: {  	[sflag:s0] =	ssyncadd.remote.s32 $0x1  }
0xbf: {  	_ =	sfence.sel $0xFFFF  }
0xc0: {  	[dreg:$0x0] =	wrdreg $0xFFFFFFFF;
	(pc) =	sbr.abs _section_cstart, $3  }
0xc1: {  	[dreg:$0x1] =	wrdreg $0xFFFFFFFF  }
0xc2: {  	_ =	task.clear_ibuf [dreg:s7], $0x2FFFF;
	_ =	strace $0x9FFFFFFF  }
0xc3: {  	(tm) =	ssettm $0x7FFFFFFF  }
tec
execute0_lowered:
.L_overlay_start_1:
0x0: {  	(tag) =	ssettag $0x1  }
0x1: {  	s1 =	rddreg [dreg:$0x0]  }
0x2: {  	s5 =	rddreg [dreg:$0x1]  }
0x3: {  	s2 =	rddreg [dreg:$0x2];
	s4 =	simm.s32 $0x0  }
0x4: {  	s6 =	srdreg.scid;
	s3 =	stileid.u32;
	s28 =	simm.s32 $0x0  }
0x5: {  	[smem:$0x7FF] =	sst s4;
	s10 =	sand.u32 $0x1, s6;
	s12 =	smul.u32 $0x280, s3  }
0x6: {  	s13 =	sadd.s32 $0xE00, s5;
	s7 =	smul.u32 $0x50000, s3;
	s14 =	sadd.s32 $0x14E00, s5  }
0x7: {  	s18 =	sadd.s32 $0x1EE00, s5;
	s9 =	sshll.u32 s3, $0x1;
	_ =	strace $0x80000047  }
0x8: {  	s6 =	ssub.s32 $0x2, s10;
	s8 =	sshll.u32 s10, $0x5;
	s31 =	smul.u32 $0x2800, s10  }
0x9: {  	s24 =	sshrl.u32 s6, $0x1;
	s25 =	sshrl.u32 s7, $0x2;
	s15 =	sadd.s32 $0x80, s12  }
0xa: {  	s16 =	sadd.s32 $0x100, s12;
	s8 =	sor.u32 s9, s8;
	s17 =	sadd.s32 $0x180, s12  }
0xb: {  	s20 =	sadd.s32 $0x200, s12;
	s19 =	ssub.s32 s6, s24;
	s5 =	sadd.s32 s25, s2  }
0xc: {  	s26 =	sshll.u32 s15, $0x7;
	s29 =	sshll.u32 s16, $0x7;
	s11 =	smul.u32 $0x280, s8  }
0xd: {  	s30 =	sshll.u32 s17, $0x7;
	s21 =	sshll.u32 s20, $0x7;
	s22 =	smul.u32 $0x1400, s8  }
0xe: {  	s23 =	sadd.s32 s12, s31;
	s15 =	sadd.s32 s31, s15;
	s16 =	sadd.s32 s31, s16  }
0xf: {  	s17 =	sadd.s32 s31, s17;
	s20 =	sadd.s32 s31, s20;
	s24 =	simm.s32 $0x6800  }
0x10: {  	s25 =	simm.s32 $0x1;
	s6 =	sadd.s32 s26, s2;
	s7 =	sadd.s32 s29, s2  }
0x11: {  	s8 =	sadd.s32 s30, s2;
	s9 =	sadd.s32 s21, s2;
	s23 =	sshll.u32 s23, $0x4  }
0x12: {  	s15 =	sshll.u32 s15, $0x4;
	s16 =	sshll.u32 s16, $0x4;
	s17 =	sshll.u32 s17, $0x4  }
0x13: {  	s20 =	sshll.u32 s20, $0x4;
	s19 =	smax.u32 s19, $0x1;
	s21 =	simm.s32 $0x3  }
0x14: {  	s26 =	simm.s32 $0x2;
	s10 =	sadd.s32 s13, s11;
	s22 =	sshrl.u32 s22, $0x3  }
0x15: {  	s11 =	sadd.s32 s14, s11;
	s15 =	sadd.s32 s18, s15;
	s22 =	sadd.s32 $0x280, s22  }
0x16: {  	s16 =	sadd.s32 s18, s16;
	s17 =	sadd.s32 s18, s17;
	s12 =	sadd.s32 s13, s22  }
0x17: {  	s13 =	sadd.s32 s14, s22;
	s14 =	sadd.s32 s18, s23;
	s18 =	sadd.s32 s18, s20  }
0x18: {  	v0 =	vimm.f32 $0.0e+00;
	s20 =	simm.s32 $0x2800;
	s22 =	simm.s32 $0x1400;
	s23 =	simm.s32 $0x80  }
.LBB2_1:
0x19: {  	s29 =	sand.u32 $0xFE00, s4  }
0x1a: {  	s30 =	sand.u32 $0x70, s4;
	s31 =	sshrl.u32 s29, $0x2  }
0x1b: {  	s29 =	simm.s32 $0x40;
	s31 =	sor.u32 s30, s31;
	s30 =	simm.s32 $0x0  }
.LBB2_2:
0x1c: {  	p0 =	sne.s32 s29, $0xFFC0  }
0x1d: {  	[tilespmem:s31+$0x2800] =	vst v0;
	s30 =	sadd.s32 $0x10, s30;
	s31 =	smov.u32 s29;
	s29 =	sadd.s32 $0x40, s29  }
.Ltmp0:
0x1e: {  	(pc) =	sbr.rel @p0 .LBB2_2-.Ltmp0, $4  }
0x1f: {  	_ = 	snop  }
0x20: {  	s31 =	sand.u32 $0xFE00, s31  }
0x21: {  	s0 =	sand.u32 $0x70, s30;
	s31 =	sshrl.u32 s31, $0x2  }
0x22: {  	s31 =	sor.u32 s0, s31  }
0x23: {  	[tilespmem:s31+$0x2800] =	vst v0  }
0x24: {  	[spmem:s5] =	stream.linear.scatter [tilespmem:s20], [sflag:$0x3], $0x4000, $0x38;
	[tilespmem:$0x1E800] =	vst v63  }
0x25: {  	_ =	swait.ge [sflag:s21], $0x4000  }
0x26: {  	[sflag:s21] =	ssyncset.done $0x0  }
0x27: {  	[sflag:s21] =	ssyncadd.s32 $0xFFFFC000  }
0x28: {  	[spmem:s6] =	stream.linear.scatter [tilespmem:s20], [sflag:$0x3], $0x4000, $0x38;
	[tilespmem:$0x1E800] =	vst v63  }
0x29: {  	_ =	swait.ge [sflag:s21], $0x4000  }
0x2a: {  	[sflag:s21] =	ssyncset.done $0x0  }
0x2b: {  	[sflag:s21] =	ssyncadd.s32 $0xFFFFC000  }
0x2c: {  	[spmem:s7] =	stream.linear.scatter [tilespmem:s20], [sflag:$0x3], $0x4000, $0x38;
	[tilespmem:$0x1E800] =	vst v63  }
0x2d: {  	_ =	swait.ge [sflag:s21], $0x4000  }
0x2e: {  	[sflag:s21] =	ssyncset.done $0x0  }
0x2f: {  	[sflag:s21] =	ssyncadd.s32 $0xFFFFC000  }
0x30: {  	[spmem:s8] =	stream.linear.scatter [tilespmem:s20], [sflag:$0x3], $0x4000, $0x38;
	[tilespmem:$0x1E800] =	vst v63  }
0x31: {  	_ =	swait.ge [sflag:s21], $0x4000  }
0x32: {  	[sflag:s21] =	ssyncset.done $0x0  }
0x33: {  	[sflag:s21] =	ssyncadd.s32 $0xFFFFC000  }
0x34: {  	[spmem:s9] =	stream.linear.scatter [tilespmem:s20], [sflag:$0x3], $0x4000, $0x38;
	[tilespmem:$0x1E800] =	vst v63  }
0x35: {  	_ =	swait.ge [sflag:s21], $0x4000  }
0x36: {  	[sflag:s21] =	ssyncset.done $0x0  }
0x37: {  	[sflag:s21] =	ssyncadd.s32 $0xFFFFC000  }
0x38: {  	s0 =	simm.s32 $0x0;
	[bflag:$0x0] =	sbarrier.arrive $0xFFFF  }
0x39: {  	[tilespmem:s0], [sflag:$0x3] =	stream.linear.gather [hbm4b:s10+s0], $0x1400, $0x38;
	[tilespmem:$0x1E800] =	vst v63  }
0x3a: {  	_ =	swait.ge [sflag:s21], $0x1400  }
0x3b: {  	[sflag:s21] =	ssyncset.done $0x0  }
0x3c: {  	[sflag:s21] =	ssyncadd.s32 $0xFFFFEC00  }
0x3d: {  	[tilespmem:s22], [sflag:$0x3] =	stream.linear.gather [hbm4b:s11+s0], $0x1400, $0x38;
	[tilespmem:$0x1E800] =	vst v63  }
0x3e: {  	_ =	swait.ge [sflag:s21], $0x1400  }
0x3f: {  	[sflag:s21] =	ssyncset.done $0x0  }
0x40: {  	s31 =	simm.s32 $0x0;
	[sflag:s21] =	ssyncadd.s32 $0xFFFFEC00  }
0x41: {  	[tilespmem:s20], [sflag:$0x1] =	stream.indirect.gather [hbm4b:s1+s23], $0x80, s31, s23, $0xb8;
	[tilespmem:$0x1E800] =	vst v63  }
0x42: {  	s31 =	simm.s32 $0x80  }
0x43: {  	[tilespmem:s24], [sflag:$0x2] =	stream.indirect.gather [hbm4b:s1+s23], $0x80, s31, s23, $0xb8;
	[tilespmem:$0x1E800] =	vst v63  }
0x44: {  	_ =	swait.ge [sflag:s25], $0x4000  }
0x45: {  	[sflag:s25] =	ssyncset.done $0x0  }
0x46: {  	s31 =	simm.s32 $0x1400;
	[sflag:s25] =	ssyncadd.s32 $0xFFFFC000  }
0x47: {  	[spmem:s2] =	stream.indirect.scatter.add.f32 [tilespmem:s20], [sflag:$0x3], $0x80, s31, s23, $0xb8;
	[tilespmem:$0x1E800] =	vst v63  }
0x48: {  	_ =	swait.ge [sflag:s21], $0x4000  }
0x49: {  	[sflag:s21] =	ssyncset.done $0x0  }
0x4a: {  	[sflag:s21] =	ssyncadd.s32 $0xFFFFC000  }
0x4b: {  	_ =	swait.ge [sflag:s26], $0x4000  }
0x4c: {  	[sflag:s26] =	ssyncset.done $0x0  }
0x4d: {  	s31 =	simm.s32 $0x1480;
	[sflag:s26] =	ssyncadd.s32 $0xFFFFC000  }
0x4e: {  	[spmem:s2] =	stream.indirect.scatter.add.f32 [tilespmem:s24], [sflag:$0x3], $0x80, s31, s23, $0xb8;
	[tilespmem:$0x1E800] =	vst v63  }
0x4f: {  	_ =	swait.ge [sflag:s21], $0x4000  }
0x50: {  	s29 =	simm.s32 $0x400;
	s30 =	simm.s32 $0x800;
	[sflag:s21] =	ssyncset.done $0x0  }
.LBB2_4:
0x51: {  	s0 =	sshra.s32 s29, $0x2  }
0x52: {  	[sflag:s21] =	ssyncadd.s32 $0xFFFFC000;
	s29 =	smov.u32 s30;
	s31 =	sadd.s32 $0x400, s30  }
0x53: {  	[tilespmem:s20], [sflag:$0x1] =	stream.indirect.gather [hbm4b:s1+s23], $0x80, s0, s23, $0xb8;
	[tilespmem:$0x1E800] =	vst v63  }
0x54: {  	p0 =	sne.s32 s30, $0x4C00;
	s30 =	sadd.s32 $0x80, s0  }
0x55: {  	[tilespmem:s24], [sflag:$0x2] =	stream.indirect.gather [hbm4b:s1+s23], $0x80, s30, s23, $0xb8;
	[tilespmem:$0x1E800] =	vst v63  }
0x56: {  	_ =	swait.ge [sflag:s25], $0x4000  }
0x57: {  	[sflag:s25] =	ssyncset.done $0x0  }
0x58: {  	s30 =	sadd.s32 $0x1400, s0;
	[sflag:s25] =	ssyncadd.s32 $0xFFFFC000  }
0x59: {  	[spmem:s2] =	stream.indirect.scatter.add.f32 [tilespmem:s20], [sflag:$0x3], $0x80, s30, s23, $0xb8;
	[tilespmem:$0x1E800] =	vst v63  }
0x5a: {  	_ =	swait.ge [sflag:s21], $0x4000  }
0x5b: {  	[sflag:s21] =	ssyncset.done $0x0  }
0x5c: {  	[sflag:s21] =	ssyncadd.s32 $0xFFFFC000  }
0x5d: {  	_ =	swait.ge [sflag:s26], $0x4000  }
.Ltmp1:
0x5e: {  	[sflag:s26] =	ssyncset.done $0x0;
	(pc) =	sbr.rel @p0 .LBB2_4-.Ltmp1, $4  }
0x5f: {  	s0 =	sadd.s32 $0x1480, s0;
	[sflag:s26] =	ssyncadd.s32 $0xFFFFC000  }
0x60: {  	[spmem:s2] =	stream.indirect.scatter.add.f32 [tilespmem:s24], [sflag:$0x3], $0x80, s0, s23, $0xb8;
	[tilespmem:$0x1E800] =	vst v63  }
0x61: {  	_ =	swait.ge [sflag:s21], $0x4000  }
0x62: {  	s30 =	smov.u32 s31;
	[sflag:s21] =	ssyncset.done $0x0  }
0x63: {  	s0 =	sshra.s32 s29, $0x2;
	[sflag:s21] =	ssyncadd.s32 $0xFFFFC000  }
0x64: {  	[tilespmem:s20], [sflag:$0x1] =	stream.indirect.gather [hbm4b:s1+s23], $0x80, s0, s23, $0xb8;
	[tilespmem:$0x1E800] =	vst v63  }
0x65: {  	s29 =	sadd.s32 $0x80, s0  }
0x66: {  	[tilespmem:s24], [sflag:$0x2] =	stream.indirect.gather [hbm4b:s1+s23], $0x80, s29, s23, $0xb8;
	[tilespmem:$0x1E800] =	vst v63  }
0x67: {  	_ =	swait.ge [sflag:s25], $0x4000  }
0x68: {  	[sflag:s25] =	ssyncset.done $0x0  }
0x69: {  	s29 =	sadd.s32 $0x1400, s0;
	[sflag:s25] =	ssyncadd.s32 $0xFFFFC000  }
0x6a: {  	[spmem:s2] =	stream.indirect.scatter.add.f32 [tilespmem:s20], [sflag:$0x3], $0x80, s29, s23, $0xb8;
	[tilespmem:$0x1E800] =	vst v63  }
0x6b: {  	_ =	swait.ge [sflag:s21], $0x4000  }
0x6c: {  	[sflag:s21] =	ssyncset.done $0x0  }
0x6d: {  	[sflag:s21] =	ssyncadd.s32 $0xFFFFC000  }
0x6e: {  	_ =	swait.ge [sflag:s26], $0x4000  }
0x6f: {  	[sflag:s26] =	ssyncset.done $0x0  }
0x70: {  	s0 =	sadd.s32 $0x1480, s0;
	[sflag:s26] =	ssyncadd.s32 $0xFFFFC000  }
0x71: {  	[spmem:s2] =	stream.indirect.scatter.add.f32 [tilespmem:s24], [sflag:$0x3], $0x80, s0, s23, $0xb8;
	[tilespmem:$0x1E800] =	vst v63  }
0x72: {  	_ =	swait.ge [sflag:s21], $0x4000  }
0x73: {  	[sflag:s21] =	ssyncset.done $0x0  }
0x74: {  	s31 =	simm.s32 $0x0;
	[sflag:s21] =	ssyncadd.s32 $0xFFFFC000  }
0x75: {  	[tilespmem:s31], [sflag:$0x3] =	stream.linear.gather [hbm4b:s12+s31], $0x1400, $0x38;
	[tilespmem:$0x1E800] =	vst v63  }
0x76: {  	_ =	swait.ge [sflag:s21], $0x1400  }
0x77: {  	[sflag:s21] =	ssyncset.done $0x0  }
0x78: {  	[sflag:s21] =	ssyncadd.s32 $0xFFFFEC00  }
0x79: {  	[tilespmem:s22], [sflag:$0x3] =	stream.linear.gather [hbm4b:s13+s31], $0x1400, $0x38;
	[tilespmem:$0x1E800] =	vst v63  }
0x7a: {  	_ =	swait.ge [sflag:s21], $0x1400  }
0x7b: {  	[sflag:s21] =	ssyncset.done $0x0  }
0x7c: {  	s31 =	simm.s32 $0x0;
	[sflag:s21] =	ssyncadd.s32 $0xFFFFEC00  }
0x7d: {  	[tilespmem:s20], [sflag:$0x1] =	stream.indirect.gather [hbm4b:s1+s23], $0x80, s31, s23, $0xb8;
	[tilespmem:$0x1E800] =	vst v63  }
0x7e: {  	s31 =	simm.s32 $0x80  }
0x7f: {  	[tilespmem:s24], [sflag:$0x2] =	stream.indirect.gather [hbm4b:s1+s23], $0x80, s31, s23, $0xb8;
	[tilespmem:$0x1E800] =	vst v63  }
0x80: {  	_ =	swait.ge [sflag:s25], $0x4000  }
0x81: {  	[sflag:s25] =	ssyncset.done $0x0  }
0x82: {  	s31 =	simm.s32 $0x1400;
	[sflag:s25] =	ssyncadd.s32 $0xFFFFC000  }
0x83: {  	[spmem:s2] =	stream.indirect.scatter.add.f32 [tilespmem:s20], [sflag:$0x3], $0x80, s31, s23, $0xb8;
	[tilespmem:$0x1E800] =	vst v63  }
0x84: {  	_ =	swait.ge [sflag:s21], $0x4000  }
0x85: {  	[sflag:s21] =	ssyncset.done $0x0  }
0x86: {  	[sflag:s21] =	ssyncadd.s32 $0xFFFFC000  }
0x87: {  	_ =	swait.ge [sflag:s26], $0x4000  }
0x88: {  	[sflag:s26] =	ssyncset.done $0x0  }
0x89: {  	s31 =	simm.s32 $0x1480;
	[sflag:s26] =	ssyncadd.s32 $0xFFFFC000  }
0x8a: {  	[spmem:s2] =	stream.indirect.scatter.add.f32 [tilespmem:s24], [sflag:$0x3], $0x80, s31, s23, $0xb8;
	[tilespmem:$0x1E800] =	vst v63  }
0x8b: {  	_ =	swait.ge [sflag:s21], $0x4000  }
0x8c: {  	s30 =	simm.s32 $0x800;
	s29 =	simm.s32 $0x400;
	[sflag:s21] =	ssyncset.done $0x0  }
.LBB2_6:
0x8d: {  	s0 =	sshra.s32 s29, $0x2  }
0x8e: {  	[sflag:s21] =	ssyncadd.s32 $0xFFFFC000;
	s29 =	smov.u32 s30;
	s31 =	sadd.s32 $0x400, s30  }
0x8f: {  	[tilespmem:s20], [sflag:$0x1] =	stream.indirect.gather [hbm4b:s1+s23], $0x80, s0, s23, $0xb8;
	[tilespmem:$0x1E800] =	vst v63  }
0x90: {  	p0 =	sne.s32 s30, $0x4C00;
	s30 =	sadd.s32 $0x80, s0  }
0x91: {  	[tilespmem:s24], [sflag:$0x2] =	stream.indirect.gather [hbm4b:s1+s23], $0x80, s30, s23, $0xb8;
	[tilespmem:$0x1E800] =	vst v63  }
0x92: {  	_ =	swait.ge [sflag:s25], $0x4000  }
0x93: {  	[sflag:s25] =	ssyncset.done $0x0  }
0x94: {  	s30 =	sadd.s32 $0x1400, s0;
	[sflag:s25] =	ssyncadd.s32 $0xFFFFC000  }
0x95: {  	[spmem:s2] =	stream.indirect.scatter.add.f32 [tilespmem:s20], [sflag:$0x3], $0x80, s30, s23, $0xb8;
	[tilespmem:$0x1E800] =	vst v63  }
0x96: {  	_ =	swait.ge [sflag:s21], $0x4000  }
0x97: {  	[sflag:s21] =	ssyncset.done $0x0  }
0x98: {  	[sflag:s21] =	ssyncadd.s32 $0xFFFFC000  }
0x99: {  	_ =	swait.ge [sflag:s26], $0x4000  }
.Ltmp2:
0x9a: {  	[sflag:s26] =	ssyncset.done $0x0;
	(pc) =	sbr.rel @p0 .LBB2_6-.Ltmp2, $4  }
0x9b: {  	s0 =	sadd.s32 $0x1480, s0;
	[sflag:s26] =	ssyncadd.s32 $0xFFFFC000  }
0x9c: {  	[spmem:s2] =	stream.indirect.scatter.add.f32 [tilespmem:s24], [sflag:$0x3], $0x80, s0, s23, $0xb8;
	[tilespmem:$0x1E800] =	vst v63  }
0x9d: {  	_ =	swait.ge [sflag:s21], $0x4000  }
0x9e: {  	s30 =	smov.u32 s31;
	[sflag:s21] =	ssyncset.done $0x0  }
0x9f: {  	s0 =	sshra.s32 s29, $0x2;
	[sflag:s21] =	ssyncadd.s32 $0xFFFFC000  }
0xa0: {  	[tilespmem:s20], [sflag:$0x1] =	stream.indirect.gather [hbm4b:s1+s23], $0x80, s0, s23, $0xb8;
	[tilespmem:$0x1E800] =	vst v63  }
0xa1: {  	s29 =	sadd.s32 $0x80, s0  }
0xa2: {  	[tilespmem:s24], [sflag:$0x2] =	stream.indirect.gather [hbm4b:s1+s23], $0x80, s29, s23, $0xb8;
	[tilespmem:$0x1E800] =	vst v63  }
0xa3: {  	_ =	swait.ge [sflag:s25], $0x4000  }
0xa4: {  	[sflag:s25] =	ssyncset.done $0x0  }
0xa5: {  	s31 =	sadd.s32 $0x1400, s0;
	[sflag:s25] =	ssyncadd.s32 $0xFFFFC000  }
0xa6: {  	[spmem:s2] =	stream.indirect.scatter.add.f32 [tilespmem:s20], [sflag:$0x3], $0x80, s31, s23, $0xb8;
	[tilespmem:$0x1E800] =	vst v63  }
0xa7: {  	_ =	swait.ge [sflag:s21], $0x4000  }
0xa8: {  	[sflag:s21] =	ssyncset.done $0x0  }
0xa9: {  	[sflag:s21] =	ssyncadd.s32 $0xFFFFC000  }
0xaa: {  	_ =	swait.ge [sflag:s26], $0x4000  }
0xab: {  	[sflag:s26] =	ssyncset.done $0x0  }
0xac: {  	s0 =	sadd.s32 $0x1480, s0;
	[sflag:s26] =	ssyncadd.s32 $0xFFFFC000  }
0xad: {  	[spmem:s2] =	stream.indirect.scatter.add.f32 [tilespmem:s24], [sflag:$0x3], $0x80, s0, s23, $0xb8;
	[tilespmem:$0x1E800] =	vst v63  }
0xae: {  	_ =	swait.ge [sflag:s21], $0x4000  }
0xaf: {  	[sflag:s21] =	ssyncset.done $0x0  }
0xb0: {  	s30 =	sshll.u32 s3, $0x6;
	[sflag:s21] =	ssyncadd.s32 $0xFFFFC000  }
0xb1: {  	s31 =	sshrl.u32 s5, $0x3;
	s0 =	sor.u32 $0x1C03, s30;
	[bflag:$0x0] =	sbarrier.arrive $0xFFFF  }
0xb2: {  	[hbm:s14], [sflag:s0] =	dma.local [spmem:s31], $0x800  }
0xb3: {  	_ =	swait.ge [sflag:s21], $0x800  }
0xb4: {  	[sflag:s21] =	ssyncset.done $0x0  }
0xb5: {  	s30 =	sshrl.u32 s6, $0x3;
	[sflag:s21] =	ssyncadd.s32 $0xFFFFF800  }
0xb6: {  	[hbm:s15], [sflag:s0] =	dma.local [spmem:s30], $0x800  }
0xb7: {  	_ =	swait.ge [sflag:s21], $0x800  }
0xb8: {  	[sflag:s21] =	ssyncset.done $0x0  }
0xb9: {  	s31 =	sshrl.u32 s7, $0x3;
	[sflag:s21] =	ssyncadd.s32 $0xFFFFF800  }
0xba: {  	[hbm:s16], [sflag:s0] =	dma.local [spmem:s31], $0x800  }
0xbb: {  	_ =	swait.ge [sflag:s21], $0x800  }
0xbc: {  	[sflag:s21] =	ssyncset.done $0x0  }
0xbd: {  	s30 =	sshrl.u32 s8, $0x3;
	[sflag:s21] =	ssyncadd.s32 $0xFFFFF800  }
0xbe: {  	[hbm:s17], [sflag:s0] =	dma.local [spmem:s30], $0x800  }
0xbf: {  	s28 =	sadd.s32 $0x1, s28;
	_ =	swait.ge [sflag:s21], $0x800  }
0xc0: {  	p0 =	sne.s32 s28, s19;
	[sflag:s21] =	ssyncset.done $0x0  }
.Ltmp3:
0xc1: {  	s31 =	sshrl.u32 s9, $0x3;
	[sflag:s21] =	ssyncadd.s32 $0xFFFFF800;
	(pc) =	sbr.rel @p0 .LBB2_1-.Ltmp3, $4  }
0xc2: {  	[hbm:s18], [sflag:s0] =	dma.local [spmem:s31], $0x800  }
0xc3: {  	_ =	swait.ge [sflag:s21], $0x800  }
0xc4: {  	[sflag:s21] =	ssyncset.done $0x0  }
0xc5: {  	[sflag:s21] =	ssyncadd.s32 $0xFFFFF800  }
0xc6: {  	_ =	sfence.sel $0x180000  }
0xc7: {  	[bflag:$0x0] =	sbarrier.arrive $0xFFFF  }
0xc8: {  	_ =	strace $0x90000047  }
0xc9: {  	[bflag:$0x2] =	sbarrier.arrive $0xFFFF  }
0xca: {  	p0 =	sne.s32 s3, $0x0;
	s0 =	rddreg [dreg:$0x3]  }
0xcb: {  	s0 =	sadd.s32 @!p0 $0x100000, s0  }
0xcc: {  	[sflag:s0] =	ssyncadd.tile.s32 @!p0 $0x1;
	_ =	shalt  }
.Lfunc_end2:
_tile_overlayer_lowered:
.L_overlay_start_2:
0xcd: {  	(tag) =	ssettag $0x2  }
0xce: {  	s0 =	rddreg [dreg:$0x0];
	s2 =	stileid.u32  }
0xcf: {  	s1 =	rddreg [dreg:$0x1];
	p0 =	sne.s32 s2, $0x0  }
0xd0: {  	s3 =	rddreg [dreg:$0x2];
	[bflag:$0x3] =	sbarrier.arrive $0xFFFF;
	s2 =	simm.s32 @!p0 $0x1C03  }
0xd1: {  	[timem:s3], [sflag:s2] =	dma.local @!p0 [hbm:s0], s1  }
0xd2: {  	s0 =	simm.s32 @!p0 $0x3  }
0xd3: {  	_ =	swait.ge @!p0 [sflag:s0], s1  }
0xd4: {  	s1 =	ssub.s32 @!p0 $0x0, s1;
	[sflag:s0] =	ssyncset.done @!p0 $0x0  }
0xd5: {  	[sflag:s0] =	ssyncadd.s32 @!p0 s1  }
0xd6: {  	[bflag:$0x3] =	sbarrier.arrive $0xFFFF  }
0xd7: {  	_ =	shalt  }

// kernel: kernel.9.cloned.1.call-start
scs
__scs_entry_jumppad:
0x0: {  	(pc) =	sbr.rel $0x88, $3  }
0x1: {  	(tag) =	ssettag $0x0;
	lr =	simm.s32 $0x1  }
0x2: {  	[smem:$0x3F99] =	sst lr;
	_ =	strace $0xD0000000  }
0x3: {  	_ = 	snop  }
0x4: {  	_ = 	snop  }
0x5: {  	_ = 	snop  }
0x6: {  	_ = 	snop  }
0x7: {  	_ = 	snop  }
__scs_overlays_trampoline_lowered:
0x8: {  	[smem:$0x3FA8] =	sst s0  }
0x9: {  	[smem:$0x3FA9] =	sst s1  }
0xa: {  	[smem:$0x3FAA] =	sst s2  }
0xb: {  	[smem:$0x3FAB] =	sst s3  }
0xc: {  	[smem:$0x3FAC] =	sst s4  }
0xd: {  	[smem:$0x3FAD] =	sst s5  }
0xe: {  	[smem:$0x3FAE] =	sst s6  }
0xf: {  	[smem:$0x3FAF] =	sst s7  }
0x10: {  	[smem:$0x3FB0] =	sst s8  }
0x11: {  	[smem:$0x3FB1] =	sst s9;
	s0 =	simm.s32 @!p0 $0x0  }
0x12: {  	s1 =	sld [smem:$0x3F97];
	s0 =	simm.s32 @p0 $0x1  }
0x13: {  	[smem:$0x3FB2] =	sst s0;
	s0 =	simm.s32 @!p1 $0x0  }
0x14: {  	s2 =	sld [smem:$0x3F96];
	s0 =	simm.s32 @p1 $0x1  }
0x15: {  	[smem:$0x3FB3] =	sst s0;
	s0 =	simm.s32 @!p2 $0x0  }
0x16: {  	s3 =	sld [smem:$0x3FDB];
	s0 =	simm.s32 @p2 $0x1  }
0x17: {  	s4 =	simm.s32 $0x1BF5;
	[smem:$0x3FB5] =	sst s0  }
0x18: {  	s0 =	sld [smem:$0x3F98];
	_ =	swait.ge [sflag:s4], $0x0  }
0x19: {  	s7 =	sld [smem:$0x3F99]  }
0x1a: {  	s8 =	sadd.s32 $0xFFFFE003, lr  }
0x1b: {  	s9 =	sadd.s32 $0xFFFFFEF7, lr;
	s5 =	simm.s32 $0xFFFFFFFF;
	p2 =	slt.u32 s8, $0xFFFFF086  }
0x1c: {  	p1 =	slt.u32 s9, $0xF7A;
	s5 =	simm.s32 @!p2 $0x0  }
0x1d: {  	s5 =	simm.s32 @p1 $0x1;
	p0 =	seq.s32 s7, s2  }
0x1e: {  	s7 =	smul.u32 @!p0 $0xF7A, s2;
	p2 =	seq.s32 @!p0 s5, $0x0  }
0x1f: {  	s9 =	smul.u32 $0xF7A, s1;
	s8 =	simm.s32 @!p0 $0x1BF5;
	p2 =	por !p2, p0  }
0x20: {  	[sflag:s8] =	ssyncset.s32 @!p0 $0xFFFFF086;
	s6 =	sadd.s32 @!p0 s3, s7;
	s7 =	simm.s32 @!p0 $0x108  }
0x21: {  	s3 =	sadd.s32 s3, s9;
	s6 =	sadd.s32 @!p0 $0x88, s6;
	s7 =	simm.s32 @p2 $0x1082  }
0x22: {  	[simem:s7], [sflag:s8] =	dma.local @!p0 [hbm:s6], $0xF7A  }
0x23: {  	s9 =	sor.u32 $0xD0000000, s2;
	s6 =	simm.s32 $0x108;
	_ =	swait.ge @!p0 [sflag:s8], $0x0  }
0x24: {  	s3 =	sadd.s32 $0x88, s3;
	s6 =	simm.s32 @!p1 $0x1082;
	[sflag:s4] =	ssyncset.s32 $0xFFFFF086  }
0x25: {  	[simem:s6], [sflag:s4] =	dma.local [hbm:s3], $0xF7A  }
0x26: {  	[smem:$0x3F99] =	sst s1;
	(tag) =	ssettag s2;
	_ =	strace s9  }
0x27: {  	s1 =	sld [smem:$0x3FA9]  }
0x28: {  	s2 =	sld [smem:$0x3FAA]  }
0x29: {  	s4 =	sld [smem:$0x3FAC]  }
0x2a: {  	p0 =	seq.s32 s5, $0x0;
	s5 =	sld [smem:$0x3FAD]  }
0x2b: {  	s6 =	sld [smem:$0x3FAE]  }
0x2c: {  	s7 =	sld [smem:$0x3FAF]  }
0x2d: {  	s3 =	simm.s32 $0x108;
	s8 =	sld [smem:$0x3FB0]  }
0x2e: {  	s3 =	simm.s32 @!p0 $0x1082;
	s9 =	sld [smem:$0x3FB1]  }
0x2f: {  	lr =	sadd.s32 s0, s3;
	s0 =	sld [smem:$0x3FA8]  }
0x30: {  	s3 =	sld [smem:$0x3FAB]  }
0x31: {  	[smem:$0x3FB4] =	sst s10  }
0x32: {  	s10 =	sld [smem:$0x3FB2];
	_ =	sdelay $0x3  }
0x33: {  	p0 =	seq.s32 s10, $0x1;
	s10 =	sld [smem:$0x3FB4];
	_ =	sdelay $0x3  }
0x34: {  	[smem:$0x3FB4] =	sst s10  }
0x35: {  	s10 =	sld [smem:$0x3FB3];
	_ =	sdelay $0x3  }
0x36: {  	p1 =	seq.s32 s10, $0x1;
	s10 =	sld [smem:$0x3FB4];
	_ =	sdelay $0x3  }
0x37: {  	[smem:$0x3FB4] =	sst s10  }
0x38: {  	s10 =	sld [smem:$0x3FB5]  }
0x39: {  	_ = 	snop;
	(pc) =	sbr.ind lr, $3  }
0x3a: {  	_ = 	snop  }
0x3b: {  	_ = 	snop  }
0x3c: {  	p2 =	seq.s32 s10, $0x1;
	s10 =	sld [smem:$0x3FB4]  }
0x3d: {  	_ =	shalt  }
0x3e: {  	_ =	shalt  }
0x3f: {  	_ =	shalt  }
0x40: {  	_ =	shalt  }
0x41: {  	_ =	shalt  }
0x42: {  	_ =	shalt  }
0x43: {  	_ =	shalt  }
0x44: {  	_ =	shalt  }
0x45: {  	_ =	shalt  }
0x46: {  	_ =	shalt  }
0x47: {  	_ =	shalt  }
0x48: {  	_ =	shalt  }
0x49: {  	_ =	shalt  }
0x4a: {  	_ =	shalt  }
0x4b: {  	_ =	shalt  }
0x4c: {  	_ =	shalt  }
0x4d: {  	_ =	shalt  }
0x4e: {  	_ =	shalt  }
0x4f: {  	_ =	shalt  }
0x50: {  	_ =	shalt  }
0x51: {  	_ =	shalt  }
0x52: {  	_ =	shalt  }
0x53: {  	_ =	shalt  }
0x54: {  	_ =	shalt  }
0x55: {  	_ =	shalt  }
0x56: {  	_ =	shalt  }
0x57: {  	_ =	shalt  }
0x58: {  	_ =	shalt  }
0x59: {  	_ =	shalt  }
0x5a: {  	_ =	shalt  }
0x5b: {  	_ =	shalt  }
0x5c: {  	_ =	shalt  }
0x5d: {  	_ =	shalt  }
0x5e: {  	_ =	shalt  }
0x5f: {  	_ =	shalt  }
0x60: {  	_ =	shalt  }
0x61: {  	_ =	shalt  }
0x62: {  	_ =	shalt  }
0x63: {  	_ =	shalt  }
0x64: {  	_ =	shalt  }
0x65: {  	_ =	shalt  }
0x66: {  	_ =	shalt  }
0x67: {  	_ =	shalt  }
0x68: {  	_ =	shalt  }
0x69: {  	_ =	shalt  }
0x6a: {  	_ =	shalt  }
0x6b: {  	_ =	shalt  }
0x6c: {  	_ =	shalt  }
0x6d: {  	_ =	shalt  }
0x6e: {  	_ =	shalt  }
0x6f: {  	_ =	shalt  }
0x70: {  	_ =	shalt  }
0x71: {  	_ =	shalt  }
0x72: {  	_ =	shalt  }
0x73: {  	_ =	shalt  }
0x74: {  	_ =	shalt  }
0x75: {  	_ =	shalt  }
0x76: {  	_ =	shalt  }
0x77: {  	_ =	shalt  }
0x78: {  	_ =	shalt  }
0x79: {  	_ =	shalt  }
0x7a: {  	_ =	shalt  }
0x7b: {  	_ =	shalt  }
0x7c: {  	_ =	shalt  }
0x7d: {  	_ =	shalt  }
0x7e: {  	_ =	shalt  }
0x7f: {  	_ =	shalt  }
0x80: {  	_ =	shalt  }
0x81: {  	_ =	shalt  }
0x82: {  	_ =	shalt  }
0x83: {  	_ =	shalt  }
0x84: {  	_ =	shalt  }
0x85: {  	_ =	shalt  }
0x86: {  	_ =	shalt  }
0x87: {  	_ =	shalt  }
.Lfunc_end0:
.L_simem_size_0:
called_computation.1_lowered:
.L_overlay_start_0:
0x88: {  	s2 =	sld [smem:$0x3FD9]  }
0x89: {  	s3 =	sld [smem:$0x3FFE];
	_ =	sdelay $0x1  }
0x8a: {  	s1 =	srdreg.scid  }
0x8b: {  	s0 =	sand.u32 $0x1, s1  }
0x8c: {  	s16 =	sshll.u32 s0, $0xA;
	s2 =	sadd.s32 s3, s2  }
0x8d: {  	s2 =	sadd.s32 s2, s16  }
0x8e: {  	[smem:$0x3FC0] =	sst s2  }
0x8f: {  	_ = 	snop  }
0x90: {  	(tm) =	ssettm $0x1  }
0x91: {  	s17 =	sld [smem:$0x3FFB];
	_ =	sdelay $0x3  }
0x92: {  	_ =	strace s17  }
0x93: {  	s2 =	sld [smem:$0x3FFC];
	_ =	sdelay $0x3  }
0x94: {  	_ =	strace s2  }
0x95: {  	s2 =	sld [smem:$0x3FFD];
	_ =	sdelay $0x3  }
0x96: {  	_ =	strace s2  }
0x97: {  	_ =	strace $0x8FFFFFFF  }
0x98: {  	s18 =	sld [smem:$0x3FDB];
	_ =	sdelay $0x1  }
0x99: {  	s19 =	simm.s32 $_scs_section_size  }
0x9a: {  	s4 =	simm.s32 $_size__tile_overlayer_lowered;
	s5 =	simm.s32 $_tile_overlayer_lowered  }
0x9b: {  	s22 =	simm.s32 $0x1BFF;
	s21 =	sshll.u32 s5, $0x1;
	s2 =	sadd.s32 s19, s18  }
0x9c: {  	s6 =	simm.s32 $0x0;
	s20 =	sshll.u32 s4, $0x1;
	s4 =	sadd.s32 s21, s2  }
0x9d: {  	[timem:s6], [sflag:s22] =	dma.local [hbm:s4], s20  }
0x9e: {  	_ =	swait.ge [sflag:s22], s20  }
0x9f: {  	s3 =	ssub.s32 $0x0, s20;
	[sflag:s22] =	ssyncset.done $0x0  }
0xa0: {  	[sflag:s22] =	ssyncadd.s32 s3;
	_ =	sdelay $0x1  }
0xa1: {  	s23 =	simm.s32 $0x1B8B  }
0xa2: {  	_ =	swait.ge [sflag:s23], $0x1  }
0xa3: {  	[sflag:s23] =	ssyncset.done $0x0  }
0xa4: {  	s25 =	simm.s32 $0x1B8E;
	s24 =	sld [smem:$0x3FFE];
	[sflag:s23] =	ssyncadd.s32 $0xFFFFFFFF  }
0xa5: {  	s26 =	simm.s32 $execute0_lowered;
	[smem:$0x3FD2] =	sst s25  }
0xa6: {  	s4 =	sshll.u32 s26, $0x1;
	_ =	strace $0x80000049;
	[dreg:$0x1] =	wrdreg $0xFFFFFFFF  }
0xa7: {  	s28 =	simm.s32 $_size_execute0_lowered;
	s2 =	sadd.s32 s2, s4;
	[dreg:$0x0] =	wrdreg $0x0  }
0xa8: {  	s4 =	sshll.u32 s28, $0x1;
	[dreg:$0x2] =	wrdreg s2  }
0xa9: {  	[dreg:$0x3] =	wrdreg s4  }
0xaa: {  	[dreg:$0x4] =	wrdreg $0xC0  }
0xab: {  	_ =	task [dreg:s6], $0x5FFFF  }
0xac: {  	[dreg:$0x1] =	wrdreg $0xFFFFFFFF  }
0xad: {  	[dreg:$0x0] =	wrdreg $0x60  }
0xae: {  	[dreg:$0x2] =	wrdreg s24  }
0xaf: {  	[dreg:$0x3] =	wrdreg $0x9  }
0xb0: {  	_ =	task.clear_ibuf [dreg:s6], $0x4FFFF;
	_ =	strace $0x90000049  }
0xb1: {  	s29 =	simm.s32 $0x9;
	_ =	strace $0x8000004B  }
0xb2: {  	_ =	swait.ge [sflag:s29], $0x1  }
0xb3: {  	[sflag:s29] =	ssyncadd.s32 $0xFFFFFFFF  }
0xb4: {  	_ =	strace $0x9000004B  }
0xb5: {  	_ =	sfence  }
0xb6: {  	s30 =	sld [smem:$0x0];
	_ =	sdelay $0x2  }
0xb7: {  	s31 =	sshll.u32 s1, $0xD;
	s1 =	sshrl.u32 s1, $0x2  }
0xb8: {  	s3 =	sand.u32 $0x4000, s31;
	s1 =	sadd.s32 s1, s30  }
0xb9: {  	s0 =	sor.u32 s3, s0;
	s1 =	sshll.u32 s1, $0x11  }
0xba: {  	s0 =	sor.u32 s1, s0  }
0xbb: {  	s0 =	sadd.s32 $0x8F2B, s0  }
0xbc: {  	[sflag:s0] =	ssyncadd.remote.s32 $0x1  }
0xbd: {  	_ =	sfence.sel $0xFFFF  }
0xbe: {  	[dreg:$0x0] =	wrdreg $0xFFFFFFFF;
	(pc) =	sbr.abs _section_cstart, $3  }
0xbf: {  	[dreg:$0x1] =	wrdreg $0xFFFFFFFF  }
0xc0: {  	_ =	task.clear_ibuf [dreg:s6], $0x2FFFF;
	_ =	strace $0x9FFFFFFF  }
0xc1: {  	(tm) =	ssettm $0x7FFFFFFF  }
tec
execute0_lowered:
.L_overlay_start_1:
0x0: {  	(tag) =	ssettag $0x1  }
0x1: {  	s0 =	srdreg.scid  }
0x2: {  	s5 =	rddreg [dreg:$0x0];
	s2 =	simm.s32 $0x0;
	s9 =	simm.s32 $0x2800  }
0x3: {  	s10 =	simm.s32 $0x5000;
	s11 =	simm.s32 $0x7800;
	s4 =	sand.u32 $0x1, s0  }
0x4: {  	s12 =	simm.s32 $0x80;
	s0 =	stileid.u32;
	s1 =	sshll.u32 s4, $0x4  }
0x5: {  	s13 =	simm.s32 $0x400;
	s14 =	simm.s32 $0x0;
	s3 =	sor.u32 s0, s1  }
0x6: {  	[smem:$0x7FF] =	sst s2;
	s7 =	sshll.u32 s0, $0x7;
	s6 =	sshrl.u32 s3, $0x3  }
0x7: {  	s4 =	ssub.s32 $0x2, s4;
	s1 =	rddreg [dreg:$0x1];
	s6 =	smul.u32 $0x14000, s6  }
0x8: {  	s7 =	sand.u32 $0x380, s7;
	_ =	strace $0x8000004A;
	s8 =	smul.u32 $0x500, s3  }
0x9: {  	s30 =	sshrl.u32 s4, $0x1;
	s3 =	sadd.s32 $0xE00, s5;
	s6 =	sor.u32 s7, s6  }
0xa: {  	s31 =	ssub.s32 s4, s30;
	s29 =	sadd.s32 s8, s5;
	s6 =	sshrl.u32 s6, $0x3  }
0xb: {  	s8 =	simm.s32 $0x1;
	s4 =	sadd.s32 $0xAE00, s29;
	s6 =	sadd.s32 s6, s5  }
0xc: {  	v0 =	vimm.f32 $0.0e+00;
	s7 =	smax.u32 s31, $0x1;
	s5 =	sadd.s32 $0x14E00, s29;
	s6 =	sadd.s32 $0x1EE00, s6  }
.LBB2_1:
0xd: {  	[tilespmem:s2], [sflag:$0x1] =	stream.linear.gather [hbm4b:s3+s2], $0x2800, $0x38;
	[tilespmem:$0xA000] =	vst v63  }
0xe: {  	_ =	swait.ge [sflag:s8], $0x2800  }
0xf: {  	[sflag:s8] =	ssyncset.done $0x0  }
0x10: {  	[sflag:s8] =	ssyncadd.s32 $0xFFFFD800  }
0x11: {  	[tilespmem:s9], [sflag:$0x1] =	stream.linear.gather [hbm4b:s4+s2], $0x2800, $0x38;
	[tilespmem:$0xA000] =	vst v63  }
0x12: {  	_ =	swait.ge [sflag:s8], $0x2800  }
0x13: {  	[sflag:s8] =	ssyncset.done $0x0  }
0x14: {  	[sflag:s8] =	ssyncadd.s32 $0xFFFFD800  }
0x15: {  	[tilespmem:s10], [sflag:$0x1] =	stream.linear.gather [hbm4b:s5+s2], $0x2800, $0x38;
	[tilespmem:$0xA000] =	vst v63  }
0x16: {  	_ =	swait.ge [sflag:s8], $0x2800  }
0x17: {  	[sflag:s8] =	ssyncset.done $0x0  }
0x18: {  	s15 =	simm.s32 $0x0;
	[sflag:s8] =	ssyncadd.s32 $0xFFFFD800  }
.LBB2_2:
0x19: {  	p0 =	sne.s32 s15, $0x9FC0  }
.Ltmp0:
0x1a: {  	_ = 	snop;
	(pc) =	sbr.rel @p0 .LBB2_2-.Ltmp0, $3  }
0x1b: {  	_ =	sdelay $0x1  }
0x1c: {  	s16 =	sshra.s32 s15, $0x2  }
0x1d: {  	s15 =	sadd.s32 $0x40, s15;
	[tilespmem:s16+$0x7800] =	vst v0  }
0x1e: {  	s16 =	simm.s32 $0x0;
	s15 =	simm.s32 $0x40  }
.LBB2_4:
0x1f: {  	p0 =	sne.s32 s15, $0x9FC0;
	v1 =	vld [tilespmem:s16+$0x5000];
	_ =	sdelay $0x5  }
0x20: {  	v2 =	vld [tilespmem:s16+$0x2800];
	_ =	sdelay $0x1  }
0x21: {  	v1 =	vld.idx.msk [tilespmem:v1+s2+$0x0], $0xffff;
	_ =	sdelay $0x1  }
.Ltmp1:
0x22: {  	(pc) =	sbr.rel @p0 .LBB2_4-.Ltmp1, $2  }
0x23: {  	_ =	sdelay $0x2  }
0x24: {  	s16 =	sshra.s32 s15, $0x2;
	s15 =	sadd.s32 $0x40, s15;
	[tilespmem:v2+s11+$0x0] =	vst.idx.add.f32.msk $0xffff, v1  }
0x25: {  	v1 =	vld [tilespmem:s16+$0x5000];
	_ =	sdelay $0x4  }
0x26: {  	v2 =	vld [tilespmem:s16+$0x2800];
	_ =	sdelay $0x2  }
0x27: {  	v1 =	vld.idx.msk [tilespmem:v1+s2+$0x0], $0xffff;
	_ =	sdelay $0x2  }
0x28: {  	s14 =	sadd.s32 $0x1, s14  }
0x29: {  	p0 =	sne.s32 s14, s7  }
.Ltmp2:
0x2a: {  	[tilespmem:v2+s11+$0x0] =	vst.idx.add.f32.msk $0xffff, v1;
	(pc) =	sbr.rel @p0 .LBB2_1-.Ltmp2, $4  }
0x2b: {  	[hbm4b:s6+s12] =	stream.strided.scatter [tilespmem:s11], [sflag:$0x1], $0x2800, s13, s12, $0x38;
	[tilespmem:$0xA000] =	vst v63  }
0x2c: {  	_ =	swait.ge [sflag:s8], $0x2800  }
0x2d: {  	[sflag:s8] =	ssyncset.done $0x0  }
0x2e: {  	[sflag:s8] =	ssyncadd.s32 $0xFFFFD800  }
0x2f: {  	_ =	sfence.sel $0x180000  }
0x30: {  	[bflag:$0x0] =	sbarrier.arrive $0xFFFF  }
0x31: {  	p0 =	sne.s32 s0, $0x0;
	_ =	strace $0x9000004A  }
0x32: {  	s0 =	sadd.s32 @!p0 $0x100000, s1;
	[bflag:$0x2] =	sbarrier.arrive $0xFFFF  }
0x33: {  	[sflag:s0] =	ssyncadd.tile.s32 @!p0 $0x1;
	_ =	shalt  }
.Lfunc_end2:
_tile_overlayer_lowered:
.L_overlay_start_2:
0x34: {  	(tag) =	ssettag $0x2  }
0x35: {  	s0 =	rddreg [dreg:$0x0];
	s2 =	stileid.u32  }
0x36: {  	s1 =	rddreg [dreg:$0x1];
	p0 =	sne.s32 s2, $0x0  }
0x37: {  	s3 =	rddreg [dreg:$0x2];
	[bflag:$0x3] =	sbarrier.arrive $0xFFFF;
	s2 =	simm.s32 @!p0 $0x1C01  }
0x38: {  	[timem:s3], [sflag:s2] =	dma.local @!p0 [hbm:s0], s1  }
0x39: {  	s0 =	simm.s32 @!p0 $0x1  }
0x3a: {  	_ =	swait.ge @!p0 [sflag:s0], s1  }
0x3b: {  	s1 =	ssub.s32 @!p0 $0x0, s1;
	[sflag:s0] =	ssyncset.done @!p0 $0x0  }
0x3c: {  	[sflag:s0] =	ssyncadd.s32 @!p0 s1  }
0x3d: {  	[bflag:$0x3] =	sbarrier.arrive $0xFFFF  }
0x3e: {  	_ =	shalt  }

</sc_bundles>
